<compile_context>
chip_gen: v7x
topology: tpu7x:2x2x1
jax: 0.10.2.dev20260603
libtpu: 0.0.44.dev20260713+nightly
codegen_flags: <defaults>
</compile_context>

<pallas_src>
import functools
import jax
import jax.numpy as jnp
from jax import lax
from jax.experimental import pallas as pl
from jax.experimental.pallas import tpu as pltpu
from jax.experimental.pallas import tpu_sc as plsc

_K = 64
_BLK = 8
_SENT = -2147483648



def _bucket(key, shift):
    b = (key >> jnp.int32(shift)) & jnp.int32(0xFF)
    if shift == 24:
        b = b ^ jnp.int32(0x80)
    return b


def _hist_level(src, hist, trips, shift):
    zero = jnp.zeros((16,), jnp.int32)
    ones = jnp.ones((16,), jnp.int32)

    def z(j, carry):
        hist[pl.ds(j * 16, 16)] = zero
        return carry

    lax.fori_loop(0, 16, z, 0)

    def h(j, carry):
        key = src[pl.ds(j * 16, 16)]
        plsc.addupdate_scatter(hist, [_bucket(key, shift)], ones)
        return carry

    lax.fori_loop(0, trips, h, 0)


def _scan_level(hist, krem):
    lanes = lax.iota(jnp.int32, 16)

    def s(j, carry):
        cum, bsel, above, hat = carry
        jj = 15 - j
        h = hist[pl.ds(jj * 16, 16)]
        tot = jnp.sum(h)
        hr = lax.rev(h, (0,))
        cs = plsc.cumsum(hr)
        hit = (cum + cs) >= krem
        idx = plsc.all_reduce_ffs(hit)[0]
        bloc = jj * 16 + 15 - idx
        pos = jj * 16 + lanes
        above_in = jnp.sum(jnp.where(pos > bloc, h, 0))
        hat_in = jnp.sum(jnp.where(pos == bloc, h, 0))
        take = jnp.logical_and(bsel < 0, (cum + tot) >= krem)
        bsel = jnp.where(take, bloc, bsel)
        above = jnp.where(take, cum + above_in, above)
        hat = jnp.where(take, hat_in, hat)
        return cum + tot, bsel, above, hat

    _, bsel, above, hat = lax.fori_loop(
        0, 16, s, (jnp.int32(0), jnp.int32(-1), jnp.int32(0), jnp.int32(0)))
    return bsel, above, hat


def _compact_level(src, dst, trips, shift, bsel):
    def c(j, ptr):
        key = src[pl.ds(j * 16, 16)]
        m = _bucket(key, shift) == bsel
        plsc.store_compressed(dst.at[pl.ds(ptr, 16)], key, mask=m)
        return ptr + plsc.all_reduce_population_count(m)[0]

    nreal = lax.fori_loop(0, trips, c, jnp.int32(0))
    dst[pl.ds(nreal, 16)] = jnp.full((16,), _SENT, jnp.int32)
    return nreal


def _make_sc_select(n_rows, n_cols):
    info = plsc.get_sparse_core_info()
    nw = info.num_cores * info.num_subcores
    rows_per_w = n_rows // nw
    vregs = n_cols // 16
    mesh = plsc.VectorSubcoreMesh(core_axis_name="c", subcore_axis_name="s")

    @functools.partial(
        pl.kernel,
        mesh=mesh,
        out_type=jax.ShapeDtypeStruct((n_rows,), jnp.int32),
        compiler_params=pltpu.CompilerParams(needs_layout_passes=False),
        scratch_types=[
            pltpu.VMEM((n_cols,), jnp.int32),
            pltpu.VMEM((n_cols,), jnp.int32),
            pltpu.VMEM((n_cols + 16,), jnp.int32),
            pltpu.VMEM((n_cols + 16,), jnp.int32),
            pltpu.VMEM((256,), jnp.int32),
            pltpu.VMEM((rows_per_w,), jnp.int32),
        ],
    )
    def sc_select(pw_hbm, out_hbm, rowbuf, keybuf, act0, act1, hist, thrbuf):
        wid = lax.axis_index("s") * info.num_cores + lax.axis_index("c")
        base = wid * rows_per_w
        lane0 = lax.iota(jnp.int32, 16) == 0

        def row_step(r, carry):
            pltpu.sync_copy(pw_hbm.at[base + r], rowbuf)

            def kstep(j, c2):
                b = rowbuf[pl.ds(j * 16, 16)]
                keybuf[pl.ds(j * 16, 16)] = (
                    b ^ ((b >> jnp.int32(31)) & jnp.int32(0x7FFFFFFF)))
                return c2

            lax.fori_loop(0, vregs, kstep, 0)

            krem = jnp.int32(_K)

            _hist_level(keybuf, hist, vregs, 24)
            bsel, above, _ = _scan_level(hist, krem)
            krem = krem - above
            prefix = (bsel ^ jnp.int32(0x80)) << jnp.int32(24)
            n1 = _compact_level(keybuf, act0, vregs, 24, bsel)

            t1 = (n1 + jnp.int32(15)) >> jnp.int32(4)
            _hist_level(act0, hist, t1, 16)
            bsel, above, _ = _scan_level(hist, krem)
            krem = krem - above
            prefix = prefix | (bsel << jnp.int32(16))
            n2 = _compact_level(act0, act1, t1, 16, bsel)

            t2 = (n2 + jnp.int32(15)) >> jnp.int32(4)
            _hist_level(act1, hist, t2, 8)
            bsel, above, _ = _scan_level(hist, krem)
            krem = krem - above
            prefix = prefix | (bsel << jnp.int32(8))
            n3 = _compact_level(act1, act0, t2, 8, bsel)

            t3 = (n3 + jnp.int32(15)) >> jnp.int32(4)
            _hist_level(act0, hist, t3, 0)
            bsel, _, _ = _scan_level(hist, krem)
            thr = prefix | bsel

            plsc.store_scatter(thrbuf, [jnp.full((16,), r, jnp.int32)],
                               jnp.full((16,), thr, jnp.int32), mask=lane0)
            return carry

        lax.fori_loop(0, rows_per_w, row_step, 0)
        pltpu.sync_copy(thrbuf, out_hbm.at[pl.ds(base, rows_per_w)])

    return sc_select



def _select_agg_body(lw_ref, thr_ref, pw_ref, v_ref):
    pw = pw_ref[...]
    rt, c = pw.shape
    bits = jax.lax.bitcast_convert_type(pw, jnp.uint32)
    sign = bits >> jnp.uint32(31)
    flip = jnp.where(sign > 0, jnp.uint32(0xFFFFFFFF), jnp.uint32(0x80000000))
    ukey = bits ^ flip

    kb = jnp.float32(_K)

    def _count(m):
        return jnp.sum(m.astype(jnp.float32), axis=1, keepdims=True)

    thr = jax.lax.bitcast_convert_type(
        thr_ref[...], jnp.uint32) ^ jnp.uint32(0x80000000)

    gt = ukey > thr
    n_gt = _count(gt)
    need = kb - n_gt
    eq = ukey == thr
    n_eq = _count(eq)

    has_tie = jnp.any(n_gt + n_eq != kb)
    col = jax.lax.broadcasted_iota(jnp.int32, (rt, c), 1)

    def tcond(state):
        i, _ = state
        return jnp.logical_and(i < 12, has_tie)

    def tstep(state):
        i, prefix = state
        cand = prefix | (jnp.int32(1) << (jnp.int32(11) - i))
        g = _count(eq & (col < cand))
        return i + 1, jnp.where(g <= need, cand, prefix)

    niter, cpre = jax.lax.while_loop(
        tcond, tstep, (jnp.int32(0), jnp.zeros((rt, 1), jnp.int32)))
    cstar = jnp.where(niter > 0, cpre, jnp.int32(4096))
    mask = gt | (eq & (col < cstar))

    wp = jnp.where(mask, jnp.exp(pw), 0.0)

    coef = jnp.exp(lw_ref[0, 0, :])
    o_ix = jax.lax.broadcasted_iota(jnp.int32, (rt // _BLK, rt), 0)
    b_ix = jax.lax.broadcasted_iota(jnp.int32, (rt // _BLK, rt), 1)
    s = jnp.where(o_ix == (b_ix // _BLK), coef[None, :], 0.0)
    v = jax.lax.dot_general(s, wp, (((1,), (0,)), ((), ())),
                            preferred_element_type=jnp.float32)
    v_ref[...] = v.astype(jnp.bfloat16)


def _matmul_body(x_ref, v_ref, o_ref):
    xb = x_ref[...].astype(jnp.bfloat16)
    vb = v_ref[...]
    o_ref[...] = jax.lax.dot_general(
        xb, vb, (((1,), (1,)), ((), ())),
        preferred_element_type=jnp.float32)


def kernel(x, pre_w, log_weight):
    n_tokens, in_features = x.shape
    n_branches = pre_w.shape[0]
    out_features, blk = log_weight.shape
    assert blk == _BLK

    pre_w_bits = jax.lax.bitcast_convert_type(pre_w, jnp.int32)
    thr = _make_sc_select(n_branches, in_features)(pre_w_bits)
    thr2 = thr.reshape(n_branches, 1)

    rt = 256
    n_row_tiles = n_branches // rt
    lw3 = log_weight.reshape(n_row_tiles, 1, rt)

    v = pl.pallas_call(
        _select_agg_body,
        grid=(n_row_tiles,),
        in_specs=[
            pl.BlockSpec((1, 1, rt), lambda i: (i, 0, 0)),
            pl.BlockSpec((rt, 1), lambda i: (i, 0)),
            pl.BlockSpec((rt, in_features), lambda i: (i, 0)),
        ],
        out_specs=pl.BlockSpec((rt // _BLK, in_features), lambda i: (i, 0)),
        out_shape=jax.ShapeDtypeStruct((out_features, in_features),
                                       jnp.bfloat16),
    )(lw3, thr2, pre_w)

    tt = 1024
    out = pl.pallas_call(
        _matmul_body,
        grid=(n_tokens // tt,),
        in_specs=[
            pl.BlockSpec((tt, in_features), lambda i: (i, 0)),
            pl.BlockSpec((out_features, in_features), lambda i: (0, 0)),
        ],
        out_specs=pl.BlockSpec((tt, out_features), lambda i: (i, 0)),
        out_shape=jax.ShapeDtypeStruct((n_tokens, out_features), jnp.float32),
    )(x, v)
    return out

# --- scband reference (transcript-rebuilt; emitter-appended) ---
"""Pipeline reference for scband-dendritic-branch-layer-63428077027580 (READ-ONLY COPY).

The authoritative reference and input builder live on the scoring server;
editing this copy changes nothing except your own understanding.
"""

import jax, jax.numpy as jnp
import numpy as np

N_TOKENS = 8192
IN_FEATURES = 2048
N_BRANCHES = 8192
OUT_FEATURES = 1024
K = 64
BLOCK_SIZE = N_BRANCHES // OUT_FEATURES


def setup_inputs(seed: int = 0) -> dict:
    key = jax.random.key(seed)
    k1, k2, k3 = jax.random.split(key, 3)
    x = jax.random.normal(k1, (N_TOKENS, IN_FEATURES), dtype=jnp.float32)
    # TopKLinear pre_w, xavier_normal init: std = sqrt(2/(fan_in+fan_out))
    xav_std = float(np.sqrt(2.0 / (IN_FEATURES + N_BRANCHES)))
    pre_w = jax.random.normal(k2, (N_BRANCHES, IN_FEATURES), dtype=jnp.float32) * xav_std
    # BlockLinear log_weight, initialize() default: constant 0
    log_weight = jnp.zeros((OUT_FEATURES, BLOCK_SIZE), dtype=jnp.float32)
    return {"x": x, "pre_w": pre_w, "log_weight": log_weight}


def reference(x, pre_w, log_weight):
    # ---- TopKLinear.forward ----
    # weight_mask(): top-K indices of pre_w per output row -> binary mask
    _, topk_idx = jax.lax.top_k(pre_w, K)
    rows = jnp.arange(pre_w.shape[0])[:, None]
    mask = jnp.zeros(pre_w.shape, dtype=pre_w.dtype).at[rows, topk_idx].set(1.0)
    # weight(): param_space='log' -> exp(pre_w); pruned_weight = weight * mask
    w = jnp.exp(pre_w)
    pruned_weight = w * mask
    # torch.mm(x, pruned_weight.t())
    h = jnp.matmul(x, pruned_weight.T)
    # ---- BlockLinear.forward ----
    # block(): zeros(out, in) with exp(log_weight) scattered block-diagonally
    block = jnp.zeros((OUT_FEATURES, N_BRANCHES), dtype=log_weight.dtype)
    row_ix = jnp.arange(OUT_FEATURES)[:, None]
    col_ix = jnp.arange(N_BRANCHES).reshape(OUT_FEATURES, BLOCK_SIZE)
    block = block.at[row_ix, col_ix].set(jnp.exp(log_weight))
    # torch.mm(h, block.t())
    out = jnp.matmul(h, block.T)
    return out

if __name__ == "__main__":
    import jax
    _d = setup_inputs()
    print(jax.jit(kernel)(*tuple(_d.values())))

</pallas_src>

<mosaic_0001>
#map = affine_map<(d0, d1) -> (0, 0)>
#map1 = affine_map<(d0, d1) -> (0)>
module attributes {stable_mosaic.version = 14 : i64} {
  func.func @sc_select(%arg0: i32, %arg1: i32, %arg2: memref<8192x2048xi32, #tpu.memory_space<hbm>>, %arg3: memref<8192xi32, #tpu.memory_space<hbm>>, %arg4: memref<2048xi32, #tpu.memory_space<vmem>>, %arg5: memref<2048xi32, #tpu.memory_space<vmem>>, %arg6: memref<2064xi32, #tpu.memory_space<vmem>>, %arg7: memref<2064xi32, #tpu.memory_space<vmem>>, %arg8: memref<256xi32, #tpu.memory_space<vmem>>, %arg9: memref<256xi32, #tpu.memory_space<vmem>>) attributes {dimension_semantics = [#tpu.dimension_semantics<core_parallel>, #tpu.dimension_semantics<subcore_parallel>], iteration_bounds = array<i64: 2, 16>, scalar_prefetch = 0 : i64, scratch_operands = 6 : i64, tpu.core_type = #tpu.core_type<sc_vector_subcore>, window_params = [{transform_indices = #map}, {transform_indices = #map1}]} {
    %mul3A = arith.constant 2 : i32
    %mul3A_0 = arith.muli %arg1, %mul3A : i32
    %add3A = arith.addi %mul3A_0, %arg0 : i32
    %mul3A_1 = arith.constant 256 : i32
    %mul3A_2 = arith.muli %add3A, %mul3A_1 : i32
    %iota3A = tpu.iota {dimensions = array<i32: 0>} : vector<16xi32>
    %eq3A = arith.constant 0 : i32
    %eq3A_3 = vector.broadcast %eq3A : i32 to vector<16xi32>
    %eq3A_4 = arith.cmpi eq, %iota3A, %eq3A_3 : vector<16xi32>
    %scan3A = arith.constant 0 : i32
    %scan3A_5 = arith.constant 0 : i32
    %scan3A_6 = arith.constant 256 : i32
    %scan3A_7 = arith.addi %scan3A_5, %scan3A_6 : i32
    %scan3A_8 = arith.constant 1 : i32
    scf.for %scan3A_10 = %scan3A_5 to %scan3A_7 step %scan3A_8  : i32 {
      %add3A_11 = arith.addi %mul3A_2, %scan3A_10 : i32
      "tpu.region"() ({
        %run_scoped3A = tpu.sem_alloc : memref<!tpu.dma_semaphore, #tpu.memory_space<semaphore_mem>>
        %dma_start3A = arith.constant 0 : i32
        %dma_start3A_203 = tpu.memref_slice %arg2[%add3A_11, %dma_start3A] : memref<8192x2048xi32, #tpu.memory_space<hbm>> -> memref<1x2048xi32, #tpu.memory_space<hbm>>
        %dma_start3A_204 = tpu.memref_squeeze %dma_start3A_203 : memref<1x2048xi32, #tpu.memory_space<hbm>> -> memref<2048xi32, #tpu.memory_space<hbm>>
        %dma_start3A_205 = arith.constant 0 : i32
        %dma_start3A_206 = tpu.memref_slice %arg2[%add3A_11, %dma_start3A_205] : memref<8192x2048xi32, #tpu.memory_space<hbm>> -> memref<1x2048xi32, #tpu.memory_space<hbm>>
        %dma_start3A_207 = tpu.memref_squeeze %dma_start3A_206 : memref<1x2048xi32, #tpu.memory_space<hbm>> -> memref<2048xi32, #tpu.memory_space<hbm>>
        tpu.enqueue_dma source(%dma_start3A_207 : memref<2048xi32, #tpu.memory_space<hbm>>) target(%arg4 : memref<2048xi32, #tpu.memory_space<vmem>>) target_semaphore(%run_scoped3A : memref<!tpu.dma_semaphore, #tpu.memory_space<semaphore_mem>>)
        %dma_wait3A = arith.constant 0 : i32
        %dma_wait3A_208 = tpu.memref_slice %arg2[%add3A_11, %dma_wait3A] : memref<8192x2048xi32, #tpu.memory_space<hbm>> -> memref<1x2048xi32, #tpu.memory_space<hbm>>
        %dma_wait3A_209 = tpu.memref_squeeze %dma_wait3A_208 : memref<1x2048xi32, #tpu.memory_space<hbm>> -> memref<2048xi32, #tpu.memory_space<hbm>>
        %dma_wait3A_210 = arith.constant 0 : i32
        %dma_wait3A_211 = tpu.memref_slice %arg2[%add3A_11, %dma_wait3A_210] : memref<8192x2048xi32, #tpu.memory_space<hbm>> -> memref<1x2048xi32, #tpu.memory_space<hbm>>
        %dma_wait3A_212 = tpu.memref_squeeze %dma_wait3A_211 : memref<1x2048xi32, #tpu.memory_space<hbm>> -> memref<2048xi32, #tpu.memory_space<hbm>>
        tpu.wait_dma2 semaphore(%run_scoped3A : memref<!tpu.dma_semaphore, #tpu.memory_space<semaphore_mem>>) src(%dma_wait3A_212 : memref<2048xi32, #tpu.memory_space<hbm>>) dst(%arg4 : memref<2048xi32, #tpu.memory_space<vmem>>)
        tpu.yield
      }) : () -> ()
      %scan3A_12 = arith.constant 0 : i32
      %scan3A_13 = arith.constant 0 : i32
      %scan3A_14 = arith.constant 128 : i32
      %scan3A_15 = arith.addi %scan3A_13, %scan3A_14 : i32
      %scan3A_16 = arith.constant 1 : i32
      scf.for %scan3A_203 = %scan3A_13 to %scan3A_15 step %scan3A_16  : i32 {
        %mul3A_204 = arith.constant 16 : i32
        %mul3A_205 = arith.muli %scan3A_203, %mul3A_204 : i32
        %get3A = arith.index_cast %mul3A_205 : i32 to index
        %get3A_206 = tpu.vector_load %arg4[%get3A] {strides = array<i32>} : memref<2048xi32, #tpu.memory_space<vmem>>, vector<16xi32>,
        %shift_right_arithmetic3A_207 = arith.constant 31 : i32
        %shift_right_arithmetic3A_208 = vector.broadcast %shift_right_arithmetic3A_207 : i32 to vector<16xi32>
        %shift_right_arithmetic3A_209 = arith.shrsi %get3A_206, %shift_right_arithmetic3A_208 : vector<16xi32>
        %and3A = arith.constant 2147483647 : i32
        %and3A_210 = vector.broadcast %and3A : i32 to vector<16xi32>
        %and3A_211 = arith.andi %shift_right_arithmetic3A_209, %and3A_210 : vector<16xi32>
        %xor3A_212 = arith.xori %get3A_206, %and3A_211 : vector<16xi32>
        %mul3A_213 = arith.constant 16 : i32
        %mul3A_214 = arith.muli %scan3A_203, %mul3A_213 : i32
        %swap3A_215 = arith.index_cast %mul3A_214 : i32 to index
        %swap3A_216 = tpu.vector_load %arg5[%swap3A_215] {strides = array<i32>} : memref<2048xi32, #tpu.memory_space<vmem>>, vector<16xi32>,
        tpu.vector_store %arg5[%swap3A_215], %xor3A_212 {strides = array<i32>} : memref<2048xi32, #tpu.memory_space<vmem>>, vector<16xi32>,
      }
      %scan3A_17 = arith.constant 128 : i32
      %broadcast_in_dim3A = arith.constant 0 : i32
      %broadcast_in_dim3A_18 = vector.broadcast %broadcast_in_dim3A : i32 to vector<16xi32>
      %broadcast_in_dim3A_19 = arith.constant 1 : i32
      %broadcast_in_dim3A_20 = vector.broadcast %broadcast_in_dim3A_19 : i32 to vector<16xi32>
      %scan3A_21 = arith.constant 0 : i32
      %scan3A_22 = arith.constant 0 : i32
      %scan3A_23 = arith.constant 16 : i32
      %scan3A_24 = arith.addi %scan3A_22, %scan3A_23 : i32
      %scan3A_25 = arith.constant 1 : i32
      scf.for %scan3A_203 = %scan3A_22 to %scan3A_24 step %scan3A_25  : i32 {
        %mul3A_204 = arith.constant 16 : i32
        %mul3A_205 = arith.muli %scan3A_203, %mul3A_204 : i32
        %swap3A_206 = arith.index_cast %mul3A_205 : i32 to index
        %swap3A_207 = tpu.vector_load %arg8[%swap3A_206] {strides = array<i32>} : memref<256xi32, #tpu.memory_space<vmem>>, vector<16xi32>,
        tpu.vector_store %arg8[%swap3A_206], %broadcast_in_dim3A_18 {strides = array<i32>} : memref<256xi32, #tpu.memory_space<vmem>>, vector<16xi32>,
      }
      %scan3A_26 = arith.constant 16 : i32
      %scan3A_27 = arith.constant 0 : i32
      %scan3A_28 = arith.constant 0 : i32
      %scan3A_29 = arith.constant 128 : i32
      %scan3A_30 = arith.addi %scan3A_28, %scan3A_29 : i32
      %scan3A_31 = arith.constant 1 : i32
      scf.for %scan3A_203 = %scan3A_28 to %scan3A_30 step %scan3A_31  : i32 {
        %mul3A_204 = arith.constant 16 : i32
        %mul3A_205 = arith.muli %scan3A_203, %mul3A_204 : i32
        %get3A = arith.index_cast %mul3A_205 : i32 to index
        %get3A_206 = tpu.vector_load %arg5[%get3A] {strides = array<i32>} : memref<2048xi32, #tpu.memory_space<vmem>>, vector<16xi32>,
        %shift_right_arithmetic3A_207 = arith.constant 24 : i32
        %shift_right_arithmetic3A_208 = vector.broadcast %shift_right_arithmetic3A_207 : i32 to vector<16xi32>
        %shift_right_arithmetic3A_209 = arith.shrsi %get3A_206, %shift_right_arithmetic3A_208 : vector<16xi32>
        %and3A = arith.constant 255 : i32
        %and3A_210 = vector.broadcast %and3A : i32 to vector<16xi32>
        %and3A_211 = arith.andi %shift_right_arithmetic3A_209, %and3A_210 : vector<16xi32>
        %xor3A_212 = arith.constant 128 : i32
        %xor3A_213 = vector.broadcast %xor3A_212 : i32 to vector<16xi32>
        %xor3A_214 = arith.xori %and3A_211, %xor3A_213 : vector<16xi32>
        tpu.vector_store_idx %arg8[%xor3A_214], %broadcast_in_dim3A_20 {add = true} : memref<256xi32, #tpu.memory_space<vmem>>[vector<16xi32>], vector<16xi32>,
      }
      %scan3A_32 = arith.constant 128 : i32
      %iota3A_33 = tpu.iota {dimensions = array<i32: 0>} : vector<16xi32>
      %scan3A_34 = arith.constant 64 : i32
      %scan3A_35 = arith.constant 0 : i32
      %scan3A_36 = arith.constant -1 : i32
      %scan3A_37 = arith.constant 0 : i32
      %scan3A_38 = arith.constant 0 : i32
      %scan3A_39 = arith.constant 0 : i32
      %scan3A_40 = arith.constant 16 : i32
      %scan3A_41 = arith.addi %scan3A_39, %scan3A_40 : i32
      %scan3A_42 = arith.constant 1 : i32
      %scan3A_43:4 = scf.for %scan3A_203 = %scan3A_39 to %scan3A_41 step %scan3A_42 iter_args(%scan3A_204 = %scan3A_35, %scan3A_205 = %scan3A_36, %scan3A_206 = %scan3A_37, %scan3A_207 = %scan3A_38) -> (i32, i32, i32, i32)  : i32 {
        %sub3A_208 = arith.constant 15 : i32
        %sub3A_209 = arith.subi %sub3A_208, %scan3A_203 : i32
        %mul3A_210 = arith.constant 16 : i32
        %mul3A_211 = arith.muli %sub3A_209, %mul3A_210 : i32
        %get3A = arith.index_cast %mul3A_211 : i32 to index
        %get3A_212 = tpu.vector_load %arg8[%get3A] {strides = array<i32>} : memref<256xi32, #tpu.memory_space<vmem>>, vector<16xi32>,
        %reduce_sum3A = arith.constant true
        %reduce_sum3A_213 = vector.broadcast %reduce_sum3A : i1 to vector<16xi1>
        %reduce_sum3A_214 = tpu.scan <sum>, %get3A_212 masked %reduce_sum3A_213 : vector<16xi32>, vector<16xi1> -> vector<16xi32>
        %reduce_sum3A_215 = vector.extract %reduce_sum3A_214[15] : i32 from vector<16xi32>
        %rev3A = arith.constant 15 : i32
        %rev3A_216 = vector.broadcast %rev3A : i32 to vector<16xi32>
        %rev3A_217 = tpu.iota {dimensions = array<i32: 0>} : vector<16xi32>
        %rev3A_218 = arith.subi %rev3A_216, %rev3A_217 : vector<16xi32>
        %rev3A_219 = tpu.dynamic_gather %get3A_212[%rev3A_218] in [0] : vector<16xi32>, vector<16xi32> -> vector<16xi32>
        %broadcast_in_dim3A_220 = arith.constant true
        %broadcast_in_dim3A_221 = vector.broadcast %broadcast_in_dim3A_220 : i1 to vector<16xi1>
        %masked_cumsum3A = tpu.scan <sum>, %rev3A_219 masked %broadcast_in_dim3A_221 : vector<16xi32>, vector<16xi1> -> vector<16xi32>
        %add3A_222 = vector.broadcast %scan3A_204 : i32 to vector<16xi32>
        %add3A_223 = arith.addi %add3A_222, %masked_cumsum3A : vector<16xi32>
        %ge3A = vector.broadcast %scan3A_34 : i32 to vector<16xi32>
        %ge3A_224 = arith.cmpi sge, %add3A_223, %ge3A : vector<16xi32>
        %all_reduce_ffs3A = tpu.all_reduce %ge3A_224 {dim = 0 : i64, kind = #tpu.reduction_kind<find_first_set>} : vector<16xi1> -> vector<16xi32>
        %slice3A = vector.extract_strided_slice %all_reduce_ffs3A {offsets = [0], sizes = [1], strides = [1]} : vector<16xi32> to vector<1xi32>
        %squeeze3A = vector.extract %slice3A[0] : i32 from vector<1xi32>
        %mul3A_225 = arith.constant 16 : i32
        %mul3A_226 = arith.muli %sub3A_209, %mul3A_225 : i32
        %add3A_227 = arith.constant 15 : i32
        %add3A_228 = arith.addi %mul3A_226, %add3A_227 : i32
        %sub3A_229 = arith.subi %add3A_228, %squeeze3A : i32
        %mul3A_230 = arith.constant 16 : i32
        %mul3A_231 = arith.muli %sub3A_209, %mul3A_230 : i32
        %add3A_232 = vector.broadcast %mul3A_231 : i32 to vector<16xi32>
        %add3A_233 = arith.addi %add3A_232, %iota3A_33 : vector<16xi32>
        %gt3A = vector.broadcast %sub3A_229 : i32 to vector<16xi32>
        %gt3A_234 = arith.cmpi sgt, %add3A_233, %gt3A : vector<16xi32>
        %jit3A = arith.constant 0 : i32
        %broadcast_in_dim3A_235 = vector.broadcast %jit3A : i32 to vector<16xi32>
        %select_n3A = arith.select %gt3A_234, %get3A_212, %broadcast_in_dim3A_235 : vector<16xi1>, vector<16xi32>
        %reduce_sum3A_236 = arith.constant true
        %reduce_sum3A_237 = vector.broadcast %reduce_sum3A_236 : i1 to vector<16xi1>
        %reduce_sum3A_238 = tpu.scan <sum>, %select_n3A masked %reduce_sum3A_237 : vector<16xi32>, vector<16xi1> -> vector<16xi32>
        %reduce_sum3A_239 = vector.extract %reduce_sum3A_238[15] : i32 from vector<16xi32>
        %eq3A_240 = vector.broadcast %sub3A_229 : i32 to vector<16xi32>
        %eq3A_241 = arith.cmpi eq, %add3A_233, %eq3A_240 : vector<16xi32>
        %jit3A_242 = arith.constant 0 : i32
        %broadcast_in_dim3A_243 = vector.broadcast %jit3A_242 : i32 to vector<16xi32>
        %select_n3A_244 = arith.select %eq3A_241, %get3A_212, %broadcast_in_dim3A_243 : vector<16xi1>, vector<16xi32>
        %reduce_sum3A_245 = arith.constant true
        %reduce_sum3A_246 = vector.broadcast %reduce_sum3A_245 : i1 to vector<16xi1>
        %reduce_sum3A_247 = tpu.scan <sum>, %select_n3A_244 masked %reduce_sum3A_246 : vector<16xi32>, vector<16xi1> -> vector<16xi32>
        %reduce_sum3A_248 = vector.extract %reduce_sum3A_247[15] : i32 from vector<16xi32>
        %lt3A = arith.constant 0 : i32
        %lt3A_249 = arith.cmpi slt, %scan3A_205, %lt3A : i32
        %add3A_250 = arith.addi %scan3A_204, %reduce_sum3A_215 : i32
        %ge3A_251 = arith.cmpi sge, %add3A_250, %scan3A_34 : i32
        %and3A = arith.andi %lt3A_249, %ge3A_251 : i1
        %select_n3A_252 = arith.select %and3A, %sub3A_229, %scan3A_205 : i32
        %add3A_253 = arith.addi %scan3A_204, %reduce_sum3A_239 : i32
        %select_n3A_254 = arith.select %and3A, %add3A_253, %scan3A_206 : i32
        %select_n3A_255 = arith.select %and3A, %reduce_sum3A_248, %scan3A_207 : i32
        %add3A_256 = arith.addi %scan3A_204, %reduce_sum3A_215 : i32
        scf.yield %add3A_256, %select_n3A_252, %select_n3A_254, %select_n3A_255 : i32, i32, i32, i32
      }
      %scan3A_44 = arith.constant 16 : i32
      %sub3A = arith.constant 64 : i32
      %sub3A_45 = arith.subi %sub3A, %scan3A_43#2 : i32
      %xor3A = arith.constant 128 : i32
      %xor3A_46 = arith.xori %scan3A_43#1, %xor3A : i32
      %shift_left3A = arith.constant 24 : i32
      %shift_left3A_47 = arith.shli %xor3A_46, %shift_left3A : i32
      %scan3A_48 = arith.constant 0 : i32
      %scan3A_49 = arith.constant 0 : i32
      %scan3A_50 = arith.constant 128 : i32
      %scan3A_51 = arith.addi %scan3A_49, %scan3A_50 : i32
      %scan3A_52 = arith.constant 1 : i32
      %scan3A_53 = scf.for %scan3A_203 = %scan3A_49 to %scan3A_51 step %scan3A_52 iter_args(%scan3A_204 = %scan3A_48) -> (i32)  : i32 {
        %mul3A_205 = arith.constant 16 : i32
        %mul3A_206 = arith.muli %scan3A_203, %mul3A_205 : i32
        %get3A = arith.index_cast %mul3A_206 : i32 to index
        %get3A_207 = tpu.vector_load %arg5[%get3A] {strides = array<i32>} : memref<2048xi32, #tpu.memory_space<vmem>>, vector<16xi32>,
        %shift_right_arithmetic3A_208 = arith.constant 24 : i32
        %shift_right_arithmetic3A_209 = vector.broadcast %shift_right_arithmetic3A_208 : i32 to vector<16xi32>
        %shift_right_arithmetic3A_210 = arith.shrsi %get3A_207, %shift_right_arithmetic3A_209 : vector<16xi32>
        %and3A = arith.constant 255 : i32
        %and3A_211 = vector.broadcast %and3A : i32 to vector<16xi32>
        %and3A_212 = arith.andi %shift_right_arithmetic3A_210, %and3A_211 : vector<16xi32>
        %xor3A_213 = arith.constant 128 : i32
        %xor3A_214 = vector.broadcast %xor3A_213 : i32 to vector<16xi32>
        %xor3A_215 = arith.xori %and3A_212, %xor3A_214 : vector<16xi32>
        %eq3A_216 = vector.broadcast %scan3A_43#1 : i32 to vector<16xi32>
        %eq3A_217 = arith.cmpi eq, %xor3A_215, %eq3A_216 : vector<16xi32>
        %swap3A_218 = arith.index_cast %scan3A_204 : i32 to index
        %swap3A_219 = tpu.vector_load %arg6[%swap3A_218] masked %eq3A_217 {strides = array<i32>} : memref<2064xi32, #tpu.memory_space<vmem>>, vector<16xi32>, vector<16xi1>
        tpu.vector_store %arg6[%swap3A_218], %get3A_207 masked %eq3A_217 {strides = array<i32>} : memref<2064xi32, #tpu.memory_space<vmem>>, vector<16xi32>, vector<16xi1>
        %all_reduce_population_count3A = tpu.all_reduce %eq3A_217 {dim = 0 : i64, kind = #tpu.reduction_kind<sum>} : vector<16xi1> -> vector<16xi32>
        %slice3A = vector.extract_strided_slice %all_reduce_population_count3A {offsets = [0], sizes = [1], strides = [1]} : vector<16xi32> to vector<1xi32>
        %squeeze3A = vector.extract %slice3A[0] : i32 from vector<1xi32>
        %add3A_220 = arith.addi %scan3A_204, %squeeze3A : i32
        scf.yield %add3A_220 : i32
      }
      %scan3A_54 = arith.constant 128 : i32
      %broadcast_in_dim3A_55 = arith.constant -2147483648 : i32
      %broadcast_in_dim3A_56 = vector.broadcast %broadcast_in_dim3A_55 : i32 to vector<16xi32>
      %swap3A = arith.index_cast %scan3A_53 : i32 to index
      %swap3A_57 = tpu.vector_load %arg6[%swap3A] {strides = array<i32>} : memref<2064xi32, #tpu.memory_space<vmem>>, vector<16xi32>,
      tpu.vector_store %arg6[%swap3A], %broadcast_in_dim3A_56 {strides = array<i32>} : memref<2064xi32, #tpu.memory_space<vmem>>, vector<16xi32>,
      %add3A_58 = arith.constant 15 : i32
      %add3A_59 = arith.addi %scan3A_53, %add3A_58 : i32
      %shift_right_arithmetic3A = arith.constant 4 : i32
      %shift_right_arithmetic3A_60 = arith.shrsi %add3A_59, %shift_right_arithmetic3A : i32
      %broadcast_in_dim3A_61 = arith.constant 0 : i32
      %broadcast_in_dim3A_62 = vector.broadcast %broadcast_in_dim3A_61 : i32 to vector<16xi32>
      %broadcast_in_dim3A_63 = arith.constant 1 : i32
      %broadcast_in_dim3A_64 = vector.broadcast %broadcast_in_dim3A_63 : i32 to vector<16xi32>
      %scan3A_65 = arith.constant 0 : i32
      %scan3A_66 = arith.constant 0 : i32
      %scan3A_67 = arith.constant 16 : i32
      %scan3A_68 = arith.addi %scan3A_66, %scan3A_67 : i32
      %scan3A_69 = arith.constant 1 : i32
      scf.for %scan3A_203 = %scan3A_66 to %scan3A_68 step %scan3A_69  : i32 {
        %mul3A_204 = arith.constant 16 : i32
        %mul3A_205 = arith.muli %scan3A_203, %mul3A_204 : i32
        %swap3A_206 = arith.index_cast %mul3A_205 : i32 to index
        %swap3A_207 = tpu.vector_load %arg8[%swap3A_206] {strides = array<i32>} : memref<256xi32, #tpu.memory_space<vmem>>, vector<16xi32>,
        tpu.vector_store %arg8[%swap3A_206], %broadcast_in_dim3A_62 {strides = array<i32>} : memref<256xi32, #tpu.memory_space<vmem>>, vector<16xi32>,
      }
      %scan3A_70 = arith.constant 16 : i32
      %while3A = arith.constant 0 : i32
      %while3A_71 = arith.constant 0 : i32
      %while3A_72 = arith.subi %shift_right_arithmetic3A_60, %while3A_71 : i32
      %while3A_73 = arith.addi %while3A_71, %while3A_72 : i32
      %while3A_74 = arith.constant 1 : i32
      %while3A_75 = arith.divsi %while3A_72, %while3A_74 : i32
      %while3A_76 = arith.muli %while3A_75, %while3A_74 : i32
      %while3A_77 = arith.addi %while3A_71, %while3A_76 : i32
      %while3A_78 = arith.constant 1 : i32
      scf.for %while3A_203 = %while3A_71 to %while3A_77 step %while3A_78  : i32 {
        %mul3A_204 = arith.constant 16 : i32
        %mul3A_205 = arith.muli %while3A_203, %mul3A_204 : i32
        %get3A = arith.index_cast %mul3A_205 : i32 to index
        %get3A_206 = tpu.vector_load %arg6[%get3A] {strides = array<i32>} : memref<2064xi32, #tpu.memory_space<vmem>>, vector<16xi32>,
        %shift_right_arithmetic3A_207 = arith.constant 16 : i32
        %shift_right_arithmetic3A_208 = vector.broadcast %shift_right_arithmetic3A_207 : i32 to vector<16xi32>
        %shift_right_arithmetic3A_209 = arith.shrsi %get3A_206, %shift_right_arithmetic3A_208 : vector<16xi32>
        %and3A = arith.constant 255 : i32
        %and3A_210 = vector.broadcast %and3A : i32 to vector<16xi32>
        %and3A_211 = arith.andi %shift_right_arithmetic3A_209, %and3A_210 : vector<16xi32>
        tpu.vector_store_idx %arg8[%and3A_211], %broadcast_in_dim3A_64 {add = true} : memref<256xi32, #tpu.memory_space<vmem>>[vector<16xi32>], vector<16xi32>,
      }
      %while3A_79 = arith.constant 1 : i32
      scf.for %while3A_203 = %while3A_77 to %while3A_73 step %while3A_79  : i32 {
        %mul3A_204 = arith.constant 16 : i32
        %mul3A_205 = arith.muli %while3A_203, %mul3A_204 : i32
        %get3A = arith.index_cast %mul3A_205 : i32 to index
        %get3A_206 = tpu.vector_load %arg6[%get3A] {strides = array<i32>} : memref<2064xi32, #tpu.memory_space<vmem>>, vector<16xi32>,
        %shift_right_arithmetic3A_207 = arith.constant 16 : i32
        %shift_right_arithmetic3A_208 = vector.broadcast %shift_right_arithmetic3A_207 : i32 to vector<16xi32>
        %shift_right_arithmetic3A_209 = arith.shrsi %get3A_206, %shift_right_arithmetic3A_208 : vector<16xi32>
        %and3A = arith.constant 255 : i32
        %and3A_210 = vector.broadcast %and3A : i32 to vector<16xi32>
        %and3A_211 = arith.andi %shift_right_arithmetic3A_209, %and3A_210 : vector<16xi32>
        tpu.vector_store_idx %arg8[%and3A_211], %broadcast_in_dim3A_64 {add = true} : memref<256xi32, #tpu.memory_space<vmem>>[vector<16xi32>], vector<16xi32>,
      }
      %iota3A_80 = tpu.iota {dimensions = array<i32: 0>} : vector<16xi32>
      %scan3A_81 = arith.constant 0 : i32
      %scan3A_82 = arith.constant -1 : i32
      %scan3A_83 = arith.constant 0 : i32
      %scan3A_84 = arith.constant 0 : i32
      %scan3A_85 = arith.constant 0 : i32
      %scan3A_86 = arith.constant 16 : i32
      %scan3A_87 = arith.addi %scan3A_85, %scan3A_86 : i32
      %scan3A_88 = arith.constant 1 : i32
      %scan3A_89:4 = scf.for %scan3A_203 = %scan3A_85 to %scan3A_87 step %scan3A_88 iter_args(%scan3A_204 = %scan3A_81, %scan3A_205 = %scan3A_82, %scan3A_206 = %scan3A_83, %scan3A_207 = %scan3A_84) -> (i32, i32, i32, i32)  : i32 {
        %sub3A_208 = arith.constant 15 : i32
        %sub3A_209 = arith.subi %sub3A_208, %scan3A_203 : i32
        %mul3A_210 = arith.constant 16 : i32
        %mul3A_211 = arith.muli %sub3A_209, %mul3A_210 : i32
        %get3A = arith.index_cast %mul3A_211 : i32 to index
        %get3A_212 = tpu.vector_load %arg8[%get3A] {strides = array<i32>} : memref<256xi32, #tpu.memory_space<vmem>>, vector<16xi32>,
        %reduce_sum3A = arith.constant true
        %reduce_sum3A_213 = vector.broadcast %reduce_sum3A : i1 to vector<16xi1>
        %reduce_sum3A_214 = tpu.scan <sum>, %get3A_212 masked %reduce_sum3A_213 : vector<16xi32>, vector<16xi1> -> vector<16xi32>
        %reduce_sum3A_215 = vector.extract %reduce_sum3A_214[15] : i32 from vector<16xi32>
        %rev3A = arith.constant 15 : i32
        %rev3A_216 = vector.broadcast %rev3A : i32 to vector<16xi32>
        %rev3A_217 = tpu.iota {dimensions = array<i32: 0>} : vector<16xi32>
        %rev3A_218 = arith.subi %rev3A_216, %rev3A_217 : vector<16xi32>
        %rev3A_219 = tpu.dynamic_gather %get3A_212[%rev3A_218] in [0] : vector<16xi32>, vector<16xi32> -> vector<16xi32>
        %broadcast_in_dim3A_220 = arith.constant true
        %broadcast_in_dim3A_221 = vector.broadcast %broadcast_in_dim3A_220 : i1 to vector<16xi1>
        %masked_cumsum3A = tpu.scan <sum>, %rev3A_219 masked %broadcast_in_dim3A_221 : vector<16xi32>, vector<16xi1> -> vector<16xi32>
        %add3A_222 = vector.broadcast %scan3A_204 : i32 to vector<16xi32>
        %add3A_223 = arith.addi %add3A_222, %masked_cumsum3A : vector<16xi32>
        %ge3A = vector.broadcast %sub3A_45 : i32 to vector<16xi32>
        %ge3A_224 = arith.cmpi sge, %add3A_223, %ge3A : vector<16xi32>
        %all_reduce_ffs3A = tpu.all_reduce %ge3A_224 {dim = 0 : i64, kind = #tpu.reduction_kind<find_first_set>} : vector<16xi1> -> vector<16xi32>
        %slice3A = vector.extract_strided_slice %all_reduce_ffs3A {offsets = [0], sizes = [1], strides = [1]} : vector<16xi32> to vector<1xi32>
        %squeeze3A = vector.extract %slice3A[0] : i32 from vector<1xi32>
        %mul3A_225 = arith.constant 16 : i32
        %mul3A_226 = arith.muli %sub3A_209, %mul3A_225 : i32
        %add3A_227 = arith.constant 15 : i32
        %add3A_228 = arith.addi %mul3A_226, %add3A_227 : i32
        %sub3A_229 = arith.subi %add3A_228, %squeeze3A : i32
        %mul3A_230 = arith.constant 16 : i32
        %mul3A_231 = arith.muli %sub3A_209, %mul3A_230 : i32
        %add3A_232 = vector.broadcast %mul3A_231 : i32 to vector<16xi32>
        %add3A_233 = arith.addi %add3A_232, %iota3A_80 : vector<16xi32>
        %gt3A = vector.broadcast %sub3A_229 : i32 to vector<16xi32>
        %gt3A_234 = arith.cmpi sgt, %add3A_233, %gt3A : vector<16xi32>
        %jit3A = arith.constant 0 : i32
        %broadcast_in_dim3A_235 = vector.broadcast %jit3A : i32 to vector<16xi32>
        %select_n3A = arith.select %gt3A_234, %get3A_212, %broadcast_in_dim3A_235 : vector<16xi1>, vector<16xi32>
        %reduce_sum3A_236 = arith.constant true
        %reduce_sum3A_237 = vector.broadcast %reduce_sum3A_236 : i1 to vector<16xi1>
        %reduce_sum3A_238 = tpu.scan <sum>, %select_n3A masked %reduce_sum3A_237 : vector<16xi32>, vector<16xi1> -> vector<16xi32>
        %reduce_sum3A_239 = vector.extract %reduce_sum3A_238[15] : i32 from vector<16xi32>
        %eq3A_240 = vector.broadcast %sub3A_229 : i32 to vector<16xi32>
        %eq3A_241 = arith.cmpi eq, %add3A_233, %eq3A_240 : vector<16xi32>
        %jit3A_242 = arith.constant 0 : i32
        %broadcast_in_dim3A_243 = vector.broadcast %jit3A_242 : i32 to vector<16xi32>
        %select_n3A_244 = arith.select %eq3A_241, %get3A_212, %broadcast_in_dim3A_243 : vector<16xi1>, vector<16xi32>
        %reduce_sum3A_245 = arith.constant true
        %reduce_sum3A_246 = vector.broadcast %reduce_sum3A_245 : i1 to vector<16xi1>
        %reduce_sum3A_247 = tpu.scan <sum>, %select_n3A_244 masked %reduce_sum3A_246 : vector<16xi32>, vector<16xi1> -> vector<16xi32>
        %reduce_sum3A_248 = vector.extract %reduce_sum3A_247[15] : i32 from vector<16xi32>
        %lt3A = arith.constant 0 : i32
        %lt3A_249 = arith.cmpi slt, %scan3A_205, %lt3A : i32
        %add3A_250 = arith.addi %scan3A_204, %reduce_sum3A_215 : i32
        %ge3A_251 = arith.cmpi sge, %add3A_250, %sub3A_45 : i32
        %and3A = arith.andi %lt3A_249, %ge3A_251 : i1
        %select_n3A_252 = arith.select %and3A, %sub3A_229, %scan3A_205 : i32
        %add3A_253 = arith.addi %scan3A_204, %reduce_sum3A_239 : i32
        %select_n3A_254 = arith.select %and3A, %add3A_253, %scan3A_206 : i32
        %select_n3A_255 = arith.select %and3A, %reduce_sum3A_248, %scan3A_207 : i32
        %add3A_256 = arith.addi %scan3A_204, %reduce_sum3A_215 : i32
        scf.yield %add3A_256, %select_n3A_252, %select_n3A_254, %select_n3A_255 : i32, i32, i32, i32
      }
      %scan3A_90 = arith.constant 16 : i32
      %sub3A_91 = arith.subi %sub3A_45, %scan3A_89#2 : i32
      %shift_left3A_92 = arith.constant 16 : i32
      %shift_left3A_93 = arith.shli %scan3A_89#1, %shift_left3A_92 : i32
      %or3A = arith.ori %shift_left3A_47, %shift_left3A_93 : i32
      %while3A_94 = arith.constant 0 : i32
      %while3A_95 = arith.constant 0 : i32
      %while3A_96 = arith.subi %shift_right_arithmetic3A_60, %while3A_94 : i32
      %while3A_97 = arith.addi %while3A_94, %while3A_96 : i32
      %while3A_98 = arith.constant 1 : i32
      %while3A_99 = arith.divsi %while3A_96, %while3A_98 : i32
      %while3A_100 = arith.muli %while3A_99, %while3A_98 : i32
      %while3A_101 = arith.addi %while3A_94, %while3A_100 : i32
      %while3A_102 = arith.constant 1 : i32
      %while3A_103 = scf.for %while3A_203 = %while3A_94 to %while3A_101 step %while3A_102 iter_args(%while3A_204 = %while3A_95) -> (i32)  : i32 {
        %mul3A_205 = arith.constant 16 : i32
        %mul3A_206 = arith.muli %while3A_203, %mul3A_205 : i32
        %get3A = arith.index_cast %mul3A_206 : i32 to index
        %get3A_207 = tpu.vector_load %arg6[%get3A] {strides = array<i32>} : memref<2064xi32, #tpu.memory_space<vmem>>, vector<16xi32>,
        %shift_right_arithmetic3A_208 = arith.constant 16 : i32
        %shift_right_arithmetic3A_209 = vector.broadcast %shift_right_arithmetic3A_208 : i32 to vector<16xi32>
        %shift_right_arithmetic3A_210 = arith.shrsi %get3A_207, %shift_right_arithmetic3A_209 : vector<16xi32>
        %and3A = arith.constant 255 : i32
        %and3A_211 = vector.broadcast %and3A : i32 to vector<16xi32>
        %and3A_212 = arith.andi %shift_right_arithmetic3A_210, %and3A_211 : vector<16xi32>
        %eq3A_213 = vector.broadcast %scan3A_89#1 : i32 to vector<16xi32>
        %eq3A_214 = arith.cmpi eq, %and3A_212, %eq3A_213 : vector<16xi32>
        %swap3A_215 = arith.index_cast %while3A_204 : i32 to index
        %swap3A_216 = tpu.vector_load %arg7[%swap3A_215] masked %eq3A_214 {strides = array<i32>} : memref<2064xi32, #tpu.memory_space<vmem>>, vector<16xi32>, vector<16xi1>
        tpu.vector_store %arg7[%swap3A_215], %get3A_207 masked %eq3A_214 {strides = array<i32>} : memref<2064xi32, #tpu.memory_space<vmem>>, vector<16xi32>, vector<16xi1>
        %all_reduce_population_count3A = tpu.all_reduce %eq3A_214 {dim = 0 : i64, kind = #tpu.reduction_kind<sum>} : vector<16xi1> -> vector<16xi32>
        %slice3A = vector.extract_strided_slice %all_reduce_population_count3A {offsets = [0], sizes = [1], strides = [1]} : vector<16xi32> to vector<1xi32>
        %squeeze3A = vector.extract %slice3A[0] : i32 from vector<1xi32>
        %add3A_217 = arith.addi %while3A_204, %squeeze3A : i32
        scf.yield %add3A_217 : i32
      }
      %while3A_104 = arith.constant 1 : i32
      %while3A_105 = scf.for %while3A_203 = %while3A_101 to %while3A_97 step %while3A_104 iter_args(%while3A_204 = %while3A_103) -> (i32)  : i32 {
        %mul3A_205 = arith.constant 16 : i32
        %mul3A_206 = arith.muli %while3A_203, %mul3A_205 : i32
        %get3A = arith.index_cast %mul3A_206 : i32 to index
        %get3A_207 = tpu.vector_load %arg6[%get3A] {strides = array<i32>} : memref<2064xi32, #tpu.memory_space<vmem>>, vector<16xi32>,
        %shift_right_arithmetic3A_208 = arith.constant 16 : i32
        %shift_right_arithmetic3A_209 = vector.broadcast %shift_right_arithmetic3A_208 : i32 to vector<16xi32>
        %shift_right_arithmetic3A_210 = arith.shrsi %get3A_207, %shift_right_arithmetic3A_209 : vector<16xi32>
        %and3A = arith.constant 255 : i32
        %and3A_211 = vector.broadcast %and3A : i32 to vector<16xi32>
        %and3A_212 = arith.andi %shift_right_arithmetic3A_210, %and3A_211 : vector<16xi32>
        %eq3A_213 = vector.broadcast %scan3A_89#1 : i32 to vector<16xi32>
        %eq3A_214 = arith.cmpi eq, %and3A_212, %eq3A_213 : vector<16xi32>
        %swap3A_215 = arith.index_cast %while3A_204 : i32 to index
        %swap3A_216 = tpu.vector_load %arg7[%swap3A_215] masked %eq3A_214 {strides = array<i32>} : memref<2064xi32, #tpu.memory_space<vmem>>, vector<16xi32>, vector<16xi1>
        tpu.vector_store %arg7[%swap3A_215], %get3A_207 masked %eq3A_214 {strides = array<i32>} : memref<2064xi32, #tpu.memory_space<vmem>>, vector<16xi32>, vector<16xi1>
        %all_reduce_population_count3A = tpu.all_reduce %eq3A_214 {dim = 0 : i64, kind = #tpu.reduction_kind<sum>} : vector<16xi1> -> vector<16xi32>
        %slice3A = vector.extract_strided_slice %all_reduce_population_count3A {offsets = [0], sizes = [1], strides = [1]} : vector<16xi32> to vector<1xi32>
        %squeeze3A = vector.extract %slice3A[0] : i32 from vector<1xi32>
        %add3A_217 = arith.addi %while3A_204, %squeeze3A : i32
        scf.yield %add3A_217 : i32
      }
      %broadcast_in_dim3A_106 = arith.constant -2147483648 : i32
      %broadcast_in_dim3A_107 = vector.broadcast %broadcast_in_dim3A_106 : i32 to vector<16xi32>
      %swap3A_108 = arith.index_cast %while3A_105 : i32 to index
      %swap3A_109 = tpu.vector_load %arg7[%swap3A_108] {strides = array<i32>} : memref<2064xi32, #tpu.memory_space<vmem>>, vector<16xi32>,
      tpu.vector_store %arg7[%swap3A_108], %broadcast_in_dim3A_107 {strides = array<i32>} : memref<2064xi32, #tpu.memory_space<vmem>>, vector<16xi32>,
      %add3A_110 = arith.constant 15 : i32
      %add3A_111 = arith.addi %while3A_105, %add3A_110 : i32
      %shift_right_arithmetic3A_112 = arith.constant 4 : i32
      %shift_right_arithmetic3A_113 = arith.shrsi %add3A_111, %shift_right_arithmetic3A_112 : i32
      %broadcast_in_dim3A_114 = arith.constant 0 : i32
      %broadcast_in_dim3A_115 = vector.broadcast %broadcast_in_dim3A_114 : i32 to vector<16xi32>
      %broadcast_in_dim3A_116 = arith.constant 1 : i32
      %broadcast_in_dim3A_117 = vector.broadcast %broadcast_in_dim3A_116 : i32 to vector<16xi32>
      %scan3A_118 = arith.constant 0 : i32
      %scan3A_119 = arith.constant 0 : i32
      %scan3A_120 = arith.constant 16 : i32
      %scan3A_121 = arith.addi %scan3A_119, %scan3A_120 : i32
      %scan3A_122 = arith.constant 1 : i32
      scf.for %scan3A_203 = %scan3A_119 to %scan3A_121 step %scan3A_122  : i32 {
        %mul3A_204 = arith.constant 16 : i32
        %mul3A_205 = arith.muli %scan3A_203, %mul3A_204 : i32
        %swap3A_206 = arith.index_cast %mul3A_205 : i32 to index
        %swap3A_207 = tpu.vector_load %arg8[%swap3A_206] {strides = array<i32>} : memref<256xi32, #tpu.memory_space<vmem>>, vector<16xi32>,
        tpu.vector_store %arg8[%swap3A_206], %broadcast_in_dim3A_115 {strides = array<i32>} : memref<256xi32, #tpu.memory_space<vmem>>, vector<16xi32>,
      }
      %scan3A_123 = arith.constant 16 : i32
      %while3A_124 = arith.constant 0 : i32
      %while3A_125 = arith.constant 0 : i32
      %while3A_126 = arith.subi %shift_right_arithmetic3A_113, %while3A_125 : i32
      %while3A_127 = arith.addi %while3A_125, %while3A_126 : i32
      %while3A_128 = arith.constant 1 : i32
      %while3A_129 = arith.divsi %while3A_126, %while3A_128 : i32
      %while3A_130 = arith.muli %while3A_129, %while3A_128 : i32
      %while3A_131 = arith.addi %while3A_125, %while3A_130 : i32
      %while3A_132 = arith.constant 1 : i32
      scf.for %while3A_203 = %while3A_125 to %while3A_131 step %while3A_132  : i32 {
        %mul3A_204 = arith.constant 16 : i32
        %mul3A_205 = arith.muli %while3A_203, %mul3A_204 : i32
        %get3A = arith.index_cast %mul3A_205 : i32 to index
        %get3A_206 = tpu.vector_load %arg7[%get3A] {strides = array<i32>} : memref<2064xi32, #tpu.memory_space<vmem>>, vector<16xi32>,
        %shift_right_arithmetic3A_207 = arith.constant 8 : i32
        %shift_right_arithmetic3A_208 = vector.broadcast %shift_right_arithmetic3A_207 : i32 to vector<16xi32>
        %shift_right_arithmetic3A_209 = arith.shrsi %get3A_206, %shift_right_arithmetic3A_208 : vector<16xi32>
        %and3A = arith.constant 255 : i32
        %and3A_210 = vector.broadcast %and3A : i32 to vector<16xi32>
        %and3A_211 = arith.andi %shift_right_arithmetic3A_209, %and3A_210 : vector<16xi32>
        tpu.vector_store_idx %arg8[%and3A_211], %broadcast_in_dim3A_117 {add = true} : memref<256xi32, #tpu.memory_space<vmem>>[vector<16xi32>], vector<16xi32>,
      }
      %while3A_133 = arith.constant 1 : i32
      scf.for %while3A_203 = %while3A_131 to %while3A_127 step %while3A_133  : i32 {
        %mul3A_204 = arith.constant 16 : i32
        %mul3A_205 = arith.muli %while3A_203, %mul3A_204 : i32
        %get3A = arith.index_cast %mul3A_205 : i32 to index
        %get3A_206 = tpu.vector_load %arg7[%get3A] {strides = array<i32>} : memref<2064xi32, #tpu.memory_space<vmem>>, vector<16xi32>,
        %shift_right_arithmetic3A_207 = arith.constant 8 : i32
        %shift_right_arithmetic3A_208 = vector.broadcast %shift_right_arithmetic3A_207 : i32 to vector<16xi32>
        %shift_right_arithmetic3A_209 = arith.shrsi %get3A_206, %shift_right_arithmetic3A_208 : vector<16xi32>
        %and3A = arith.constant 255 : i32
        %and3A_210 = vector.broadcast %and3A : i32 to vector<16xi32>
        %and3A_211 = arith.andi %shift_right_arithmetic3A_209, %and3A_210 : vector<16xi32>
        tpu.vector_store_idx %arg8[%and3A_211], %broadcast_in_dim3A_117 {add = true} : memref<256xi32, #tpu.memory_space<vmem>>[vector<16xi32>], vector<16xi32>,
      }
      %iota3A_134 = tpu.iota {dimensions = array<i32: 0>} : vector<16xi32>
      %scan3A_135 = arith.constant 0 : i32
      %scan3A_136 = arith.constant -1 : i32
      %scan3A_137 = arith.constant 0 : i32
      %scan3A_138 = arith.constant 0 : i32
      %scan3A_139 = arith.constant 0 : i32
      %scan3A_140 = arith.constant 16 : i32
      %scan3A_141 = arith.addi %scan3A_139, %scan3A_140 : i32
      %scan3A_142 = arith.constant 1 : i32
      %scan3A_143:4 = scf.for %scan3A_203 = %scan3A_139 to %scan3A_141 step %scan3A_142 iter_args(%scan3A_204 = %scan3A_135, %scan3A_205 = %scan3A_136, %scan3A_206 = %scan3A_137, %scan3A_207 = %scan3A_138) -> (i32, i32, i32, i32)  : i32 {
        %sub3A_208 = arith.constant 15 : i32
        %sub3A_209 = arith.subi %sub3A_208, %scan3A_203 : i32
        %mul3A_210 = arith.constant 16 : i32
        %mul3A_211 = arith.muli %sub3A_209, %mul3A_210 : i32
        %get3A = arith.index_cast %mul3A_211 : i32 to index
        %get3A_212 = tpu.vector_load %arg8[%get3A] {strides = array<i32>} : memref<256xi32, #tpu.memory_space<vmem>>, vector<16xi32>,
        %reduce_sum3A = arith.constant true
        %reduce_sum3A_213 = vector.broadcast %reduce_sum3A : i1 to vector<16xi1>
        %reduce_sum3A_214 = tpu.scan <sum>, %get3A_212 masked %reduce_sum3A_213 : vector<16xi32>, vector<16xi1> -> vector<16xi32>
        %reduce_sum3A_215 = vector.extract %reduce_sum3A_214[15] : i32 from vector<16xi32>
        %rev3A = arith.constant 15 : i32
        %rev3A_216 = vector.broadcast %rev3A : i32 to vector<16xi32>
        %rev3A_217 = tpu.iota {dimensions = array<i32: 0>} : vector<16xi32>
        %rev3A_218 = arith.subi %rev3A_216, %rev3A_217 : vector<16xi32>
        %rev3A_219 = tpu.dynamic_gather %get3A_212[%rev3A_218] in [0] : vector<16xi32>, vector<16xi32> -> vector<16xi32>
        %broadcast_in_dim3A_220 = arith.constant true
        %broadcast_in_dim3A_221 = vector.broadcast %broadcast_in_dim3A_220 : i1 to vector<16xi1>
        %masked_cumsum3A = tpu.scan <sum>, %rev3A_219 masked %broadcast_in_dim3A_221 : vector<16xi32>, vector<16xi1> -> vector<16xi32>
        %add3A_222 = vector.broadcast %scan3A_204 : i32 to vector<16xi32>
        %add3A_223 = arith.addi %add3A_222, %masked_cumsum3A : vector<16xi32>
        %ge3A = vector.broadcast %sub3A_91 : i32 to vector<16xi32>
        %ge3A_224 = arith.cmpi sge, %add3A_223, %ge3A : vector<16xi32>
        %all_reduce_ffs3A = tpu.all_reduce %ge3A_224 {dim = 0 : i64, kind = #tpu.reduction_kind<find_first_set>} : vector<16xi1> -> vector<16xi32>
        %slice3A = vector.extract_strided_slice %all_reduce_ffs3A {offsets = [0], sizes = [1], strides = [1]} : vector<16xi32> to vector<1xi32>
        %squeeze3A = vector.extract %slice3A[0] : i32 from vector<1xi32>
        %mul3A_225 = arith.constant 16 : i32
        %mul3A_226 = arith.muli %sub3A_209, %mul3A_225 : i32
        %add3A_227 = arith.constant 15 : i32
        %add3A_228 = arith.addi %mul3A_226, %add3A_227 : i32
        %sub3A_229 = arith.subi %add3A_228, %squeeze3A : i32
        %mul3A_230 = arith.constant 16 : i32
        %mul3A_231 = arith.muli %sub3A_209, %mul3A_230 : i32
        %add3A_232 = vector.broadcast %mul3A_231 : i32 to vector<16xi32>
        %add3A_233 = arith.addi %add3A_232, %iota3A_134 : vector<16xi32>
        %gt3A = vector.broadcast %sub3A_229 : i32 to vector<16xi32>
        %gt3A_234 = arith.cmpi sgt, %add3A_233, %gt3A : vector<16xi32>
        %jit3A = arith.constant 0 : i32
        %broadcast_in_dim3A_235 = vector.broadcast %jit3A : i32 to vector<16xi32>
        %select_n3A = arith.select %gt3A_234, %get3A_212, %broadcast_in_dim3A_235 : vector<16xi1>, vector<16xi32>
        %reduce_sum3A_236 = arith.constant true
        %reduce_sum3A_237 = vector.broadcast %reduce_sum3A_236 : i1 to vector<16xi1>
        %reduce_sum3A_238 = tpu.scan <sum>, %select_n3A masked %reduce_sum3A_237 : vector<16xi32>, vector<16xi1> -> vector<16xi32>
        %reduce_sum3A_239 = vector.extract %reduce_sum3A_238[15] : i32 from vector<16xi32>
        %eq3A_240 = vector.broadcast %sub3A_229 : i32 to vector<16xi32>
        %eq3A_241 = arith.cmpi eq, %add3A_233, %eq3A_240 : vector<16xi32>
        %jit3A_242 = arith.constant 0 : i32
        %broadcast_in_dim3A_243 = vector.broadcast %jit3A_242 : i32 to vector<16xi32>
        %select_n3A_244 = arith.select %eq3A_241, %get3A_212, %broadcast_in_dim3A_243 : vector<16xi1>, vector<16xi32>
        %reduce_sum3A_245 = arith.constant true
        %reduce_sum3A_246 = vector.broadcast %reduce_sum3A_245 : i1 to vector<16xi1>
        %reduce_sum3A_247 = tpu.scan <sum>, %select_n3A_244 masked %reduce_sum3A_246 : vector<16xi32>, vector<16xi1> -> vector<16xi32>
        %reduce_sum3A_248 = vector.extract %reduce_sum3A_247[15] : i32 from vector<16xi32>
        %lt3A = arith.constant 0 : i32
        %lt3A_249 = arith.cmpi slt, %scan3A_205, %lt3A : i32
        %add3A_250 = arith.addi %scan3A_204, %reduce_sum3A_215 : i32
        %ge3A_251 = arith.cmpi sge, %add3A_250, %sub3A_91 : i32
        %and3A = arith.andi %lt3A_249, %ge3A_251 : i1
        %select_n3A_252 = arith.select %and3A, %sub3A_229, %scan3A_205 : i32
        %add3A_253 = arith.addi %scan3A_204, %reduce_sum3A_239 : i32
        %select_n3A_254 = arith.select %and3A, %add3A_253, %scan3A_206 : i32
        %select_n3A_255 = arith.select %and3A, %reduce_sum3A_248, %scan3A_207 : i32
        %add3A_256 = arith.addi %scan3A_204, %reduce_sum3A_215 : i32
        scf.yield %add3A_256, %select_n3A_252, %select_n3A_254, %select_n3A_255 : i32, i32, i32, i32
      }
      %scan3A_144 = arith.constant 16 : i32
      %sub3A_145 = arith.subi %sub3A_91, %scan3A_143#2 : i32
      %shift_left3A_146 = arith.constant 8 : i32
      %shift_left3A_147 = arith.shli %scan3A_143#1, %shift_left3A_146 : i32
      %or3A_148 = arith.ori %or3A, %shift_left3A_147 : i32
      %while3A_149 = arith.constant 0 : i32
      %while3A_150 = arith.constant 0 : i32
      %while3A_151 = arith.subi %shift_right_arithmetic3A_113, %while3A_149 : i32
      %while3A_152 = arith.addi %while3A_149, %while3A_151 : i32
      %while3A_153 = arith.constant 1 : i32
      %while3A_154 = arith.divsi %while3A_151, %while3A_153 : i32
      %while3A_155 = arith.muli %while3A_154, %while3A_153 : i32
      %while3A_156 = arith.addi %while3A_149, %while3A_155 : i32
      %while3A_157 = arith.constant 1 : i32
      %while3A_158 = scf.for %while3A_203 = %while3A_149 to %while3A_156 step %while3A_157 iter_args(%while3A_204 = %while3A_150) -> (i32)  : i32 {
        %mul3A_205 = arith.constant 16 : i32
        %mul3A_206 = arith.muli %while3A_203, %mul3A_205 : i32
        %get3A = arith.index_cast %mul3A_206 : i32 to index
        %get3A_207 = tpu.vector_load %arg7[%get3A] {strides = array<i32>} : memref<2064xi32, #tpu.memory_space<vmem>>, vector<16xi32>,
        %shift_right_arithmetic3A_208 = arith.constant 8 : i32
        %shift_right_arithmetic3A_209 = vector.broadcast %shift_right_arithmetic3A_208 : i32 to vector<16xi32>
        %shift_right_arithmetic3A_210 = arith.shrsi %get3A_207, %shift_right_arithmetic3A_209 : vector<16xi32>
        %and3A = arith.constant 255 : i32
        %and3A_211 = vector.broadcast %and3A : i32 to vector<16xi32>
        %and3A_212 = arith.andi %shift_right_arithmetic3A_210, %and3A_211 : vector<16xi32>
        %eq3A_213 = vector.broadcast %scan3A_143#1 : i32 to vector<16xi32>
        %eq3A_214 = arith.cmpi eq, %and3A_212, %eq3A_213 : vector<16xi32>
        %swap3A_215 = arith.index_cast %while3A_204 : i32 to index
        %swap3A_216 = tpu.vector_load %arg6[%swap3A_215] masked %eq3A_214 {strides = array<i32>} : memref<2064xi32, #tpu.memory_space<vmem>>, vector<16xi32>, vector<16xi1>
        tpu.vector_store %arg6[%swap3A_215], %get3A_207 masked %eq3A_214 {strides = array<i32>} : memref<2064xi32, #tpu.memory_space<vmem>>, vector<16xi32>, vector<16xi1>
        %all_reduce_population_count3A = tpu.all_reduce %eq3A_214 {dim = 0 : i64, kind = #tpu.reduction_kind<sum>} : vector<16xi1> -> vector<16xi32>
        %slice3A = vector.extract_strided_slice %all_reduce_population_count3A {offsets = [0], sizes = [1], strides = [1]} : vector<16xi32> to vector<1xi32>
        %squeeze3A = vector.extract %slice3A[0] : i32 from vector<1xi32>
        %add3A_217 = arith.addi %while3A_204, %squeeze3A : i32
        scf.yield %add3A_217 : i32
      }
      %while3A_159 = arith.constant 1 : i32
      %while3A_160 = scf.for %while3A_203 = %while3A_156 to %while3A_152 step %while3A_159 iter_args(%while3A_204 = %while3A_158) -> (i32)  : i32 {
        %mul3A_205 = arith.constant 16 : i32
        %mul3A_206 = arith.muli %while3A_203, %mul3A_205 : i32
        %get3A = arith.index_cast %mul3A_206 : i32 to index
        %get3A_207 = tpu.vector_load %arg7[%get3A] {strides = array<i32>} : memref<2064xi32, #tpu.memory_space<vmem>>, vector<16xi32>,
        %shift_right_arithmetic3A_208 = arith.constant 8 : i32
        %shift_right_arithmetic3A_209 = vector.broadcast %shift_right_arithmetic3A_208 : i32 to vector<16xi32>
        %shift_right_arithmetic3A_210 = arith.shrsi %get3A_207, %shift_right_arithmetic3A_209 : vector<16xi32>
        %and3A = arith.constant 255 : i32
        %and3A_211 = vector.broadcast %and3A : i32 to vector<16xi32>
        %and3A_212 = arith.andi %shift_right_arithmetic3A_210, %and3A_211 : vector<16xi32>
        %eq3A_213 = vector.broadcast %scan3A_143#1 : i32 to vector<16xi32>
        %eq3A_214 = arith.cmpi eq, %and3A_212, %eq3A_213 : vector<16xi32>
        %swap3A_215 = arith.index_cast %while3A_204 : i32 to index
        %swap3A_216 = tpu.vector_load %arg6[%swap3A_215] masked %eq3A_214 {strides = array<i32>} : memref<2064xi32, #tpu.memory_space<vmem>>, vector<16xi32>, vector<16xi1>
        tpu.vector_store %arg6[%swap3A_215], %get3A_207 masked %eq3A_214 {strides = array<i32>} : memref<2064xi32, #tpu.memory_space<vmem>>, vector<16xi32>, vector<16xi1>
        %all_reduce_population_count3A = tpu.all_reduce %eq3A_214 {dim = 0 : i64, kind = #tpu.reduction_kind<sum>} : vector<16xi1> -> vector<16xi32>
        %slice3A = vector.extract_strided_slice %all_reduce_population_count3A {offsets = [0], sizes = [1], strides = [1]} : vector<16xi32> to vector<1xi32>
        %squeeze3A = vector.extract %slice3A[0] : i32 from vector<1xi32>
        %add3A_217 = arith.addi %while3A_204, %squeeze3A : i32
        scf.yield %add3A_217 : i32
      }
      %broadcast_in_dim3A_161 = arith.constant -2147483648 : i32
      %broadcast_in_dim3A_162 = vector.broadcast %broadcast_in_dim3A_161 : i32 to vector<16xi32>
      %swap3A_163 = arith.index_cast %while3A_160 : i32 to index
      %swap3A_164 = tpu.vector_load %arg6[%swap3A_163] {strides = array<i32>} : memref<2064xi32, #tpu.memory_space<vmem>>, vector<16xi32>,
      tpu.vector_store %arg6[%swap3A_163], %broadcast_in_dim3A_162 {strides = array<i32>} : memref<2064xi32, #tpu.memory_space<vmem>>, vector<16xi32>,
      %add3A_165 = arith.constant 15 : i32
      %add3A_166 = arith.addi %while3A_160, %add3A_165 : i32
      %shift_right_arithmetic3A_167 = arith.constant 4 : i32
      %shift_right_arithmetic3A_168 = arith.shrsi %add3A_166, %shift_right_arithmetic3A_167 : i32
      %broadcast_in_dim3A_169 = arith.constant 0 : i32
      %broadcast_in_dim3A_170 = vector.broadcast %broadcast_in_dim3A_169 : i32 to vector<16xi32>
      %broadcast_in_dim3A_171 = arith.constant 1 : i32
      %broadcast_in_dim3A_172 = vector.broadcast %broadcast_in_dim3A_171 : i32 to vector<16xi32>
      %scan3A_173 = arith.constant 0 : i32
      %scan3A_174 = arith.constant 0 : i32
      %scan3A_175 = arith.constant 16 : i32
      %scan3A_176 = arith.addi %scan3A_174, %scan3A_175 : i32
      %scan3A_177 = arith.constant 1 : i32
      scf.for %scan3A_203 = %scan3A_174 to %scan3A_176 step %scan3A_177  : i32 {
        %mul3A_204 = arith.constant 16 : i32
        %mul3A_205 = arith.muli %scan3A_203, %mul3A_204 : i32
        %swap3A_206 = arith.index_cast %mul3A_205 : i32 to index
        %swap3A_207 = tpu.vector_load %arg8[%swap3A_206] {strides = array<i32>} : memref<256xi32, #tpu.memory_space<vmem>>, vector<16xi32>,
        tpu.vector_store %arg8[%swap3A_206], %broadcast_in_dim3A_170 {strides = array<i32>} : memref<256xi32, #tpu.memory_space<vmem>>, vector<16xi32>,
      }
      %scan3A_178 = arith.constant 16 : i32
      %while3A_179 = arith.constant 0 : i32
      %while3A_180 = arith.constant 0 : i32
      %while3A_181 = arith.subi %shift_right_arithmetic3A_168, %while3A_180 : i32
      %while3A_182 = arith.addi %while3A_180, %while3A_181 : i32
      %while3A_183 = arith.constant 1 : i32
      %while3A_184 = arith.divsi %while3A_181, %while3A_183 : i32
      %while3A_185 = arith.muli %while3A_184, %while3A_183 : i32
      %while3A_186 = arith.addi %while3A_180, %while3A_185 : i32
      %while3A_187 = arith.constant 1 : i32
      scf.for %while3A_203 = %while3A_180 to %while3A_186 step %while3A_187  : i32 {
        %mul3A_204 = arith.constant 16 : i32
        %mul3A_205 = arith.muli %while3A_203, %mul3A_204 : i32
        %get3A = arith.index_cast %mul3A_205 : i32 to index
        %get3A_206 = tpu.vector_load %arg6[%get3A] {strides = array<i32>} : memref<2064xi32, #tpu.memory_space<vmem>>, vector<16xi32>,
        %shift_right_arithmetic3A_207 = arith.constant 0 : i32
        %shift_right_arithmetic3A_208 = vector.broadcast %shift_right_arithmetic3A_207 : i32 to vector<16xi32>
        %shift_right_arithmetic3A_209 = arith.shrsi %get3A_206, %shift_right_arithmetic3A_208 : vector<16xi32>
        %and3A = arith.constant 255 : i32
        %and3A_210 = vector.broadcast %and3A : i32 to vector<16xi32>
        %and3A_211 = arith.andi %shift_right_arithmetic3A_209, %and3A_210 : vector<16xi32>
        tpu.vector_store_idx %arg8[%and3A_211], %broadcast_in_dim3A_172 {add = true} : memref<256xi32, #tpu.memory_space<vmem>>[vector<16xi32>], vector<16xi32>,
      }
      %while3A_188 = arith.constant 1 : i32
      scf.for %while3A_203 = %while3A_186 to %while3A_182 step %while3A_188  : i32 {
        %mul3A_204 = arith.constant 16 : i32
        %mul3A_205 = arith.muli %while3A_203, %mul3A_204 : i32
        %get3A = arith.index_cast %mul3A_205 : i32 to index
        %get3A_206 = tpu.vector_load %arg6[%get3A] {strides = array<i32>} : memref<2064xi32, #tpu.memory_space<vmem>>, vector<16xi32>,
        %shift_right_arithmetic3A_207 = arith.constant 0 : i32
        %shift_right_arithmetic3A_208 = vector.broadcast %shift_right_arithmetic3A_207 : i32 to vector<16xi32>
        %shift_right_arithmetic3A_209 = arith.shrsi %get3A_206, %shift_right_arithmetic3A_208 : vector<16xi32>
        %and3A = arith.constant 255 : i32
        %and3A_210 = vector.broadcast %and3A : i32 to vector<16xi32>
        %and3A_211 = arith.andi %shift_right_arithmetic3A_209, %and3A_210 : vector<16xi32>
        tpu.vector_store_idx %arg8[%and3A_211], %broadcast_in_dim3A_172 {add = true} : memref<256xi32, #tpu.memory_space<vmem>>[vector<16xi32>], vector<16xi32>,
      }
      %iota3A_189 = tpu.iota {dimensions = array<i32: 0>} : vector<16xi32>
      %scan3A_190 = arith.constant 0 : i32
      %scan3A_191 = arith.constant -1 : i32
      %scan3A_192 = arith.constant 0 : i32
      %scan3A_193 = arith.constant 0 : i32
      %scan3A_194 = arith.constant 0 : i32
      %scan3A_195 = arith.constant 16 : i32
      %scan3A_196 = arith.addi %scan3A_194, %scan3A_195 : i32
      %scan3A_197 = arith.constant 1 : i32
      %scan3A_198:4 = scf.for %scan3A_203 = %scan3A_194 to %scan3A_196 step %scan3A_197 iter_args(%scan3A_204 = %scan3A_190, %scan3A_205 = %scan3A_191, %scan3A_206 = %scan3A_192, %scan3A_207 = %scan3A_193) -> (i32, i32, i32, i32)  : i32 {
        %sub3A_208 = arith.constant 15 : i32
        %sub3A_209 = arith.subi %sub3A_208, %scan3A_203 : i32
        %mul3A_210 = arith.constant 16 : i32
        %mul3A_211 = arith.muli %sub3A_209, %mul3A_210 : i32
        %get3A = arith.index_cast %mul3A_211 : i32 to index
        %get3A_212 = tpu.vector_load %arg8[%get3A] {strides = array<i32>} : memref<256xi32, #tpu.memory_space<vmem>>, vector<16xi32>,
        %reduce_sum3A = arith.constant true
        %reduce_sum3A_213 = vector.broadcast %reduce_sum3A : i1 to vector<16xi1>
        %reduce_sum3A_214 = tpu.scan <sum>, %get3A_212 masked %reduce_sum3A_213 : vector<16xi32>, vector<16xi1> -> vector<16xi32>
        %reduce_sum3A_215 = vector.extract %reduce_sum3A_214[15] : i32 from vector<16xi32>
        %rev3A = arith.constant 15 : i32
        %rev3A_216 = vector.broadcast %rev3A : i32 to vector<16xi32>
        %rev3A_217 = tpu.iota {dimensions = array<i32: 0>} : vector<16xi32>
        %rev3A_218 = arith.subi %rev3A_216, %rev3A_217 : vector<16xi32>
        %rev3A_219 = tpu.dynamic_gather %get3A_212[%rev3A_218] in [0] : vector<16xi32>, vector<16xi32> -> vector<16xi32>
        %broadcast_in_dim3A_220 = arith.constant true
        %broadcast_in_dim3A_221 = vector.broadcast %broadcast_in_dim3A_220 : i1 to vector<16xi1>
        %masked_cumsum3A = tpu.scan <sum>, %rev3A_219 masked %broadcast_in_dim3A_221 : vector<16xi32>, vector<16xi1> -> vector<16xi32>
        %add3A_222 = vector.broadcast %scan3A_204 : i32 to vector<16xi32>
        %add3A_223 = arith.addi %add3A_222, %masked_cumsum3A : vector<16xi32>
        %ge3A = vector.broadcast %sub3A_145 : i32 to vector<16xi32>
        %ge3A_224 = arith.cmpi sge, %add3A_223, %ge3A : vector<16xi32>
        %all_reduce_ffs3A = tpu.all_reduce %ge3A_224 {dim = 0 : i64, kind = #tpu.reduction_kind<find_first_set>} : vector<16xi1> -> vector<16xi32>
        %slice3A = vector.extract_strided_slice %all_reduce_ffs3A {offsets = [0], sizes = [1], strides = [1]} : vector<16xi32> to vector<1xi32>
        %squeeze3A = vector.extract %slice3A[0] : i32 from vector<1xi32>
        %mul3A_225 = arith.constant 16 : i32
        %mul3A_226 = arith.muli %sub3A_209, %mul3A_225 : i32
        %add3A_227 = arith.constant 15 : i32
        %add3A_228 = arith.addi %mul3A_226, %add3A_227 : i32
        %sub3A_229 = arith.subi %add3A_228, %squeeze3A : i32
        %mul3A_230 = arith.constant 16 : i32
        %mul3A_231 = arith.muli %sub3A_209, %mul3A_230 : i32
        %add3A_232 = vector.broadcast %mul3A_231 : i32 to vector<16xi32>
        %add3A_233 = arith.addi %add3A_232, %iota3A_189 : vector<16xi32>
        %gt3A = vector.broadcast %sub3A_229 : i32 to vector<16xi32>
        %gt3A_234 = arith.cmpi sgt, %add3A_233, %gt3A : vector<16xi32>
        %jit3A = arith.constant 0 : i32
        %broadcast_in_dim3A_235 = vector.broadcast %jit3A : i32 to vector<16xi32>
        %select_n3A = arith.select %gt3A_234, %get3A_212, %broadcast_in_dim3A_235 : vector<16xi1>, vector<16xi32>
        %reduce_sum3A_236 = arith.constant true
        %reduce_sum3A_237 = vector.broadcast %reduce_sum3A_236 : i1 to vector<16xi1>
        %reduce_sum3A_238 = tpu.scan <sum>, %select_n3A masked %reduce_sum3A_237 : vector<16xi32>, vector<16xi1> -> vector<16xi32>
        %reduce_sum3A_239 = vector.extract %reduce_sum3A_238[15] : i32 from vector<16xi32>
        %eq3A_240 = vector.broadcast %sub3A_229 : i32 to vector<16xi32>
        %eq3A_241 = arith.cmpi eq, %add3A_233, %eq3A_240 : vector<16xi32>
        %jit3A_242 = arith.constant 0 : i32
        %broadcast_in_dim3A_243 = vector.broadcast %jit3A_242 : i32 to vector<16xi32>
        %select_n3A_244 = arith.select %eq3A_241, %get3A_212, %broadcast_in_dim3A_243 : vector<16xi1>, vector<16xi32>
        %reduce_sum3A_245 = arith.constant true
        %reduce_sum3A_246 = vector.broadcast %reduce_sum3A_245 : i1 to vector<16xi1>
        %reduce_sum3A_247 = tpu.scan <sum>, %select_n3A_244 masked %reduce_sum3A_246 : vector<16xi32>, vector<16xi1> -> vector<16xi32>
        %reduce_sum3A_248 = vector.extract %reduce_sum3A_247[15] : i32 from vector<16xi32>
        %lt3A = arith.constant 0 : i32
        %lt3A_249 = arith.cmpi slt, %scan3A_205, %lt3A : i32
        %add3A_250 = arith.addi %scan3A_204, %reduce_sum3A_215 : i32
        %ge3A_251 = arith.cmpi sge, %add3A_250, %sub3A_145 : i32
        %and3A = arith.andi %lt3A_249, %ge3A_251 : i1
        %select_n3A_252 = arith.select %and3A, %sub3A_229, %scan3A_205 : i32
        %add3A_253 = arith.addi %scan3A_204, %reduce_sum3A_239 : i32
        %select_n3A_254 = arith.select %and3A, %add3A_253, %scan3A_206 : i32
        %select_n3A_255 = arith.select %and3A, %reduce_sum3A_248, %scan3A_207 : i32
        %add3A_256 = arith.addi %scan3A_204, %reduce_sum3A_215 : i32
        scf.yield %add3A_256, %select_n3A_252, %select_n3A_254, %select_n3A_255 : i32, i32, i32, i32
      }
      %scan3A_199 = arith.constant 16 : i32
      %or3A_200 = arith.ori %or3A_148, %scan3A_198#1 : i32
      %broadcast_in_dim3A_201 = vector.broadcast %scan3A_10 : i32 to vector<16xi32>
      %broadcast_in_dim3A_202 = vector.broadcast %or3A_200 : i32 to vector<16xi32>
      tpu.vector_store_idx %arg9[%broadcast_in_dim3A_201], %broadcast_in_dim3A_202 masked %eq3A_4 : memref<256xi32, #tpu.memory_space<vmem>>[vector<16xi32>], vector<16xi32>, vector<16xi1>
    }
    %scan3A_9 = arith.constant 256 : i32
    "tpu.region"() ({
      %run_scoped3A = tpu.sem_alloc : memref<!tpu.dma_semaphore, #tpu.memory_space<semaphore_mem>>
      %dma_start3A = tpu.memref_slice %arg3[%mul3A_2] : memref<8192xi32, #tpu.memory_space<hbm>> -> memref<256xi32, #tpu.memory_space<hbm>>
      %dma_start3A_10 = tpu.memref_slice %arg3[%mul3A_2] : memref<8192xi32, #tpu.memory_space<hbm>> -> memref<256xi32, #tpu.memory_space<hbm>>
      tpu.enqueue_dma source(%arg9 : memref<256xi32, #tpu.memory_space<vmem>>) target(%dma_start3A_10 : memref<256xi32, #tpu.memory_space<hbm>>) target_semaphore(%run_scoped3A : memref<!tpu.dma_semaphore, #tpu.memory_space<semaphore_mem>>)
      %dma_wait3A = tpu.memref_slice %arg3[%mul3A_2] : memref<8192xi32, #tpu.memory_space<hbm>> -> memref<256xi32, #tpu.memory_space<hbm>>
      %dma_wait3A_11 = tpu.memref_slice %arg3[%mul3A_2] : memref<8192xi32, #tpu.memory_space<hbm>> -> memref<256xi32, #tpu.memory_space<hbm>>
      tpu.wait_dma2 semaphore(%run_scoped3A : memref<!tpu.dma_semaphore, #tpu.memory_space<semaphore_mem>>) src(%arg9 : memref<256xi32, #tpu.memory_space<vmem>>) dst(%dma_wait3A_11 : memref<256xi32, #tpu.memory_space<hbm>>)
      tpu.yield
    }) : () -> ()
    return
  }
}

module attributes {stable_mosaic.version = 14 : i64} {
  func.func @_select_agg_body(%arg0: i32, %arg1: memref<1x1x256xf32, #tpu.memory_space<vmem>>, %arg2: memref<256x1xi32, #tpu.memory_space<vmem>>, %arg3: memref<256x2048xf32, #tpu.memory_space<vmem>>, %arg4: memref<32x2048xbf16, #tpu.memory_space<vmem>>) attributes {dimension_semantics = [#tpu.dimension_semantics<arbitrary>], iteration_bounds = array<i64: 32>, scalar_prefetch = 0 : i64, scratch_operands = 0 : i64, tpu.core_type = #tpu.core_type<tc>, window_params = [{transform_indices = @transform_0, window_bounds = array<i64: 1, 1, 256>}, {transform_indices = @transform_1, window_bounds = array<i64: 256, 1>}, {transform_indices = @transform_2, window_bounds = array<i64: 256, 2048>}, {transform_indices = @transform_3, window_bounds = array<i64: 32, 2048>}]} {
    %get3A = arith.constant 0 : index
    %get3A_0 = arith.constant 0 : index
    %get3A_1 = vector.load %arg3[%get3A, %get3A_0] : memref<256x2048xf32, #tpu.memory_space<vmem>>, vector<256x2048xf32>
    %bitcast_convert_type3A = tpu.bitcast %get3A_1 : vector<256x2048xf32> -> vector<256x2048xi32>
    %shift_right_logical3A = arith.constant 31 : i32
    %shift_right_logical3A_2 = vector.broadcast %shift_right_logical3A : i32 to vector<256x2048xi32>
    %shift_right_logical3A_3 = arith.shrui %bitcast_convert_type3A, %shift_right_logical3A_2 : vector<256x2048xi32>
    %gt3A = arith.constant 0 : i32
    %gt3A_4 = vector.broadcast %gt3A : i32 to vector<256x2048xi32>
    %gt3A_5 = arith.cmpi ugt, %shift_right_logical3A_3, %gt3A_4 : vector<256x2048xi32>
    %jit3A = arith.constant -1 : i32
    %jit3A_6 = arith.constant -2147483648 : i32
    %broadcast_in_dim3A = vector.broadcast %jit3A : i32 to vector<256x2048xi32>
    %broadcast_in_dim3A_7 = vector.broadcast %jit3A_6 : i32 to vector<256x2048xi32>
    %select_n3A = arith.select %gt3A_5, %broadcast_in_dim3A, %broadcast_in_dim3A_7 : vector<256x2048xi1>, vector<256x2048xi32>
    %xor3A = arith.xori %bitcast_convert_type3A, %select_n3A : vector<256x2048xi32>
    %get3A_8 = arith.constant 0 : index
    %get3A_9 = arith.constant 0 : index
    %get3A_10 = vector.load %arg2[%get3A_8, %get3A_9] : memref<256x1xi32, #tpu.memory_space<vmem>>, vector<256x1xi32>
    %bitcast_convert_type3A_11 = tpu.bitcast %get3A_10 : vector<256x1xi32> -> vector<256x1xi32>
    %xor3A_12 = arith.constant -2147483648 : i32
    %xor3A_13 = vector.broadcast %xor3A_12 : i32 to vector<256x1xi32>
    %xor3A_14 = arith.xori %bitcast_convert_type3A_11, %xor3A_13 : vector<256x1xi32>
    %gt3A_15 = vector.broadcast %xor3A_14 : vector<256x1xi32> to vector<256x2048xi32>
    %gt3A_16 = arith.cmpi ugt, %xor3A, %gt3A_15 : vector<256x2048xi32>
    %convert_element_type3A = arith.extui %gt3A_16 : vector<256x2048xi1> to vector<256x2048xi32>
    %convert_element_type3A_17 = arith.sitofp %convert_element_type3A : vector<256x2048xi32> to vector<256x2048xf32>
    %reduce_sum3A = arith.constant dense<0.000000e+00> : vector<256xf32>
    %reduce_sum3A_18 = vector.multi_reduction <add>, %convert_element_type3A_17, %reduce_sum3A [1] : vector<256x2048xf32> to vector<256xf32>
    %broadcast_in_dim3A_19 = vector.shape_cast %reduce_sum3A_18 : vector<256xf32> to vector<256x1xf32>
    %sub3A = arith.constant 6.400000e+01 : f32
    %sub3A_20 = vector.broadcast %sub3A : f32 to vector<256x1xf32>
    %sub3A_21 = arith.subf %sub3A_20, %broadcast_in_dim3A_19 : vector<256x1xf32>
    %eq3A = vector.broadcast %xor3A_14 : vector<256x1xi32> to vector<256x2048xi32>
    %eq3A_22 = arith.cmpi eq, %xor3A, %eq3A : vector<256x2048xi32>
    %convert_element_type3A_23 = arith.extui %eq3A_22 : vector<256x2048xi1> to vector<256x2048xi32>
    %convert_element_type3A_24 = arith.sitofp %convert_element_type3A_23 : vector<256x2048xi32> to vector<256x2048xf32>
    %reduce_sum3A_25 = arith.constant dense<0.000000e+00> : vector<256xf32>
    %reduce_sum3A_26 = vector.multi_reduction <add>, %convert_element_type3A_24, %reduce_sum3A_25 [1] : vector<256x2048xf32> to vector<256xf32>
    %broadcast_in_dim3A_27 = vector.shape_cast %reduce_sum3A_26 : vector<256xf32> to vector<256x1xf32>
    %add3A = arith.addf %broadcast_in_dim3A_19, %broadcast_in_dim3A_27 : vector<256x1xf32>
    %ne3A = arith.constant 6.400000e+01 : f32
    %ne3A_28 = vector.broadcast %ne3A : f32 to vector<256x1xf32>
    %ne3A_29 = arith.cmpf one, %add3A, %ne3A_28 : vector<256x1xf32>
    %reduce_or3A = arith.constant 1.000000e+00 : f32
    %reduce_or3A_30 = arith.constant 0.000000e+00 : f32
    %reduce_or3A_31 = vector.broadcast %reduce_or3A : f32 to vector<256x1xf32>
    %reduce_or3A_32 = vector.broadcast %reduce_or3A_30 : f32 to vector<256x1xf32>
    %reduce_or3A_33 = arith.select %ne3A_29, %reduce_or3A_31, %reduce_or3A_32 : vector<256x1xi1>, vector<256x1xf32>
    %reduce_or3A_34 = vector.shape_cast %reduce_or3A_33 : vector<256x1xf32> to vector<1x256x1xf32>
    %reduce_or3A_35 = arith.constant dense<0xFF800000> : vector<1xf32>
    %reduce_or3A_36 = vector.multi_reduction <maximumf>, %reduce_or3A_34, %reduce_or3A_35 [1, 2] : vector<1x256x1xf32> to vector<1xf32>
    %reduce_or3A_37 = vector.shape_cast %reduce_or3A_36 : vector<1xf32> to vector<1x1x1xf32>
    %reduce_or3A_38 = vector.extract %reduce_or3A_37[0, 0, 0] : f32 from vector<1x1x1xf32>
    %reduce_or3A_39 = arith.constant 0.000000e+00 : f32
    %reduce_or3A_40 = arith.cmpf ogt, %reduce_or3A_38, %reduce_or3A_39 : f32
    %iota3A = tpu.iota {dimensions = array<i32: 1>} : vector<256x2048xi32>
    %broadcast_in_dim3A_41 = arith.constant 0 : i32
    %broadcast_in_dim3A_42 = vector.broadcast %broadcast_in_dim3A_41 : i32 to vector<256x1xi32>
    %while3A = arith.constant 0 : i32
    %while3A_43:2 = scf.while (%while3A_100 = %while3A, %while3A_101 = %broadcast_in_dim3A_42) : (i32, vector<256x1xi32>) -> (i32, vector<256x1xi32>) {
      %lt3A_102 = arith.constant 12 : i32
      %lt3A_103 = arith.cmpi slt, %while3A_100, %lt3A_102 : i32
      %and3A_104 = arith.andi %lt3A_103, %reduce_or3A_40 : i1
      scf.condition(%and3A_104) %while3A_100, %while3A_101 : i32, vector<256x1xi32>
    } do {
    ^bb0(%while3A_100: i32, %while3A_101: vector<256x1xi32>):
      %sub3A_102 = arith.constant 11 : i32
      %sub3A_103 = arith.subi %sub3A_102, %while3A_100 : i32
      %shift_left3A = arith.constant 1 : i32
      %shift_left3A_104 = arith.shli %shift_left3A, %sub3A_103 : i32
      %or3A_105 = vector.broadcast %shift_left3A_104 : i32 to vector<256x1xi32>
      %or3A_106 = arith.ori %while3A_101, %or3A_105 : vector<256x1xi32>
      %lt3A_107 = vector.broadcast %or3A_106 : vector<256x1xi32> to vector<256x2048xi32>
      %lt3A_108 = arith.cmpi slt, %iota3A, %lt3A_107 : vector<256x2048xi32>
      %and3A_109 = arith.andi %eq3A_22, %lt3A_108 : vector<256x2048xi1>
      %convert_element_type3A_110 = arith.extui %and3A_109 : vector<256x2048xi1> to vector<256x2048xi32>
      %convert_element_type3A_111 = arith.sitofp %convert_element_type3A_110 : vector<256x2048xi32> to vector<256x2048xf32>
      %reduce_sum3A_112 = arith.constant dense<0.000000e+00> : vector<256xf32>
      %reduce_sum3A_113 = vector.multi_reduction <add>, %convert_element_type3A_111, %reduce_sum3A_112 [1] : vector<256x2048xf32> to vector<256xf32>
      %broadcast_in_dim3A_114 = vector.shape_cast %reduce_sum3A_113 : vector<256xf32> to vector<256x1xf32>
      %add3A_115 = arith.constant 1 : i32
      %add3A_116 = arith.addi %while3A_100, %add3A_115 : i32
      %le3A = arith.cmpf ole, %broadcast_in_dim3A_114, %sub3A_21 : vector<256x1xf32>
      %select_n3A_117 = arith.select %le3A, %or3A_106, %while3A_101 : vector<256x1xi1>, vector<256x1xi32>
      scf.yield %add3A_116, %select_n3A_117 : i32, vector<256x1xi32>
    }
    %gt3A_44 = arith.constant 0 : i32
    %gt3A_45 = arith.cmpi sgt, %while3A_43#0, %gt3A_44 : i32
    %jit3A_46 = arith.constant 4096 : i32
    %broadcast_in_dim3A_47 = vector.broadcast %jit3A_46 : i32 to vector<256x1xi32>
    %select_n3A_48 = arith.select %gt3A_45, %while3A_43#1, %broadcast_in_dim3A_47 : vector<256x1xi32>
    %lt3A = vector.broadcast %select_n3A_48 : vector<256x1xi32> to vector<256x2048xi32>
    %lt3A_49 = arith.cmpi slt, %iota3A, %lt3A : vector<256x2048xi32>
    %and3A = arith.andi %eq3A_22, %lt3A_49 : vector<256x2048xi1>
    %or3A = arith.ori %gt3A_16, %and3A : vector<256x2048xi1>
    %exp3A = math.exp %get3A_1 : vector<256x2048xf32>
    %jit3A_50 = arith.constant 0.000000e+00 : f32
    %broadcast_in_dim3A_51 = vector.broadcast %jit3A_50 : f32 to vector<256x2048xf32>
    %select_n3A_52 = arith.select %or3A, %exp3A, %broadcast_in_dim3A_51 : vector<256x2048xi1>, vector<256x2048xf32>
    %get3A_53 = arith.constant 0 : index
    %get3A_54 = arith.constant 0 : index
    %get3A_55 = arith.constant 0 : index
    %get3A_56 = vector.load %arg1[%get3A_53, %get3A_54, %get3A_55] : memref<1x1x256xf32, #tpu.memory_space<vmem>>, vector<1x1x256xf32>
    %get3A_57 = vector.shape_cast %get3A_56 : vector<1x1x256xf32> to vector<256xf32>
    %exp3A_58 = math.exp %get3A_57 : vector<256xf32>
    %iota3A_59 = tpu.iota {dimensions = array<i32: 0>} : vector<32x256xi32>
    %iota3A_60 = tpu.iota {dimensions = array<i32: 1>} : vector<32x256xi32>
    %jit3A_61 = arith.constant 8 : i32
    %div3A = vector.broadcast %jit3A_61 : i32 to vector<32x256xi32>
    %div3A_62 = arith.divsi %iota3A_60, %div3A : vector<32x256xi32>
    %sign3A = arith.constant 0 : i32
    %sign3A_63 = vector.broadcast %sign3A : i32 to vector<32x256xi32>
    %sign3A_64 = arith.cmpi sgt, %iota3A_60, %sign3A_63 : vector<32x256xi32>
    %sign3A_65 = arith.extui %sign3A_64 : vector<32x256xi1> to vector<32x256xi32>
    %sign3A_66 = arith.constant 0 : i32
    %sign3A_67 = vector.broadcast %sign3A_66 : i32 to vector<32x256xi32>
    %sign3A_68 = arith.cmpi slt, %iota3A_60, %sign3A_67 : vector<32x256xi32>
    %sign3A_69 = arith.extui %sign3A_68 : vector<32x256xi1> to vector<32x256xi32>
    %sign3A_70 = arith.subi %sign3A_65, %sign3A_69 : vector<32x256xi32>
    %sign3A_71 = arith.constant 0 : i32
    %sign3A_72 = arith.cmpi sgt, %jit3A_61, %sign3A_71 : i32
    %sign3A_73 = arith.extui %sign3A_72 : i1 to i32
    %sign3A_74 = arith.constant 0 : i32
    %sign3A_75 = arith.cmpi slt, %jit3A_61, %sign3A_74 : i32
    %sign3A_76 = arith.extui %sign3A_75 : i1 to i32
    %sign3A_77 = arith.subi %sign3A_73, %sign3A_76 : i32
    %ne3A_78 = vector.broadcast %sign3A_77 : i32 to vector<32x256xi32>
    %ne3A_79 = arith.cmpi ne, %sign3A_70, %ne3A_78 : vector<32x256xi32>
    %rem3A = vector.broadcast %jit3A_61 : i32 to vector<32x256xi32>
    %rem3A_80 = arith.remsi %iota3A_60, %rem3A : vector<32x256xi32>
    %ne3A_81 = arith.constant 0 : i32
    %ne3A_82 = vector.broadcast %ne3A_81 : i32 to vector<32x256xi32>
    %ne3A_83 = arith.cmpi ne, %rem3A_80, %ne3A_82 : vector<32x256xi32>
    %and3A_84 = arith.andi %ne3A_79, %ne3A_83 : vector<32x256xi1>
    %sub3A_85 = arith.constant 1 : i32
    %sub3A_86 = vector.broadcast %sub3A_85 : i32 to vector<32x256xi32>
    %sub3A_87 = arith.subi %div3A_62, %sub3A_86 : vector<32x256xi32>
    %select_n3A_88 = arith.select %and3A_84, %sub3A_87, %div3A_62 : vector<32x256xi1>, vector<32x256xi32>
    %eq3A_89 = arith.cmpi eq, %iota3A_59, %select_n3A_88 : vector<32x256xi32>
    %broadcast_in_dim3A_90 = vector.shape_cast %exp3A_58 : vector<256xf32> to vector<1x256xf32>
    %jit3A_91 = arith.constant 0.000000e+00 : f32
    %broadcast_in_dim3A_92 = vector.shape_cast %broadcast_in_dim3A_90 : vector<1x256xf32> to vector<1x256xf32>
    %broadcast_in_dim3A_93 = vector.broadcast %broadcast_in_dim3A_92 : vector<1x256xf32> to vector<32x256xf32>
    %broadcast_in_dim3A_94 = vector.broadcast %jit3A_91 : f32 to vector<32x256xf32>
    %select_n3A_95 = arith.select %eq3A_89, %broadcast_in_dim3A_93, %broadcast_in_dim3A_94 : vector<32x256xi1>, vector<32x256xf32>
    %dot_general3A = arith.constant dense<0.000000e+00> : vector<32x2048xf32>
    %dot_general3A_96 = tpu.matmul %select_n3A_95, %select_n3A_52, %dot_general3A {dimension_numbers = #tpu.dot_dimension_numbers<[1], [0], [0], [1], [0, 0, 1, 1], [], []>, transpose_lhs_hint = false} : vector<32x256xf32>, vector<256x2048xf32>, vector<32x2048xf32> -> vector<32x2048xf32>
    %convert_element_type3A_97 = arith.truncf %dot_general3A_96 : vector<32x2048xf32> to vector<32x2048xbf16>
    %swap3A = arith.constant 0 : index
    %swap3A_98 = arith.constant 0 : index
    %swap3A_99 = vector.load %arg4[%swap3A, %swap3A_98] : memref<32x2048xbf16, #tpu.memory_space<vmem>>, vector<32x2048xbf16>
    tpu.vector_store %arg4[%swap3A, %swap3A_98], %convert_element_type3A_97 {strides = array<i32>} : memref<32x2048xbf16, #tpu.memory_space<vmem>>, vector<32x2048xbf16>,
    return
  }
  func.func @transform_0(%arg0: i32) -> (i32, i32, i32) {
    %c0_i32 = arith.constant 0 : i32
    %c0_i32_0 = arith.constant 0 : i32
    %c0_i32_1 = arith.constant 0 : i32
    return %arg0, %c0_i32, %c0_i32_0 : i32, i32, i32
  }
  func.func @transform_1(%arg0: i32) -> (i32, i32) {
    %c0_i32 = arith.constant 0 : i32
    %c0_i32_0 = arith.constant 0 : i32
    return %arg0, %c0_i32 : i32, i32
  }
  func.func @transform_2(%arg0: i32) -> (i32, i32) {
    %c0_i32 = arith.constant 0 : i32
    %c0_i32_0 = arith.constant 0 : i32
    return %arg0, %c0_i32 : i32, i32
  }
  func.func @transform_3(%arg0: i32) -> (i32, i32) {
    %c0_i32 = arith.constant 0 : i32
    %c0_i32_0 = arith.constant 0 : i32
    return %arg0, %c0_i32 : i32, i32
  }
}

module attributes {stable_mosaic.version = 14 : i64} {
  func.func @_matmul_body(%arg0: i32, %arg1: memref<1024x2048xf32, #tpu.memory_space<vmem>>, %arg2: memref<1024x2048xbf16, #tpu.memory_space<vmem>>, %arg3: memref<1024x1024xf32, #tpu.memory_space<vmem>>) attributes {dimension_semantics = [#tpu.dimension_semantics<arbitrary>], iteration_bounds = array<i64: 8>, scalar_prefetch = 0 : i64, scratch_operands = 0 : i64, tpu.core_type = #tpu.core_type<tc>, window_params = [{transform_indices = @transform_0, window_bounds = array<i64: 1024, 2048>}, {pipeline_mode = #tpu.pipeline_mode<synchronous>, transform_indices = @transform_1, window_bounds = array<i64: 1024, 2048>}, {transform_indices = @transform_2, window_bounds = array<i64: 1024, 1024>}]} {
    %get3A = arith.constant 0 : index
    %get3A_0 = arith.constant 0 : index
    %get3A_1 = vector.load %arg1[%get3A, %get3A_0] : memref<1024x2048xf32, #tpu.memory_space<vmem>>, vector<1024x2048xf32>
    %convert_element_type3A = arith.truncf %get3A_1 : vector<1024x2048xf32> to vector<1024x2048xbf16>
    %get3A_2 = arith.constant 0 : index
    %get3A_3 = arith.constant 0 : index
    %get3A_4 = vector.load %arg2[%get3A_2, %get3A_3] : memref<1024x2048xbf16, #tpu.memory_space<vmem>>, vector<1024x2048xbf16>
    %dot_general3A = arith.constant dense<0.000000e+00> : vector<1024x1024xf32>
    %dot_general3A_5 = tpu.matmul %convert_element_type3A, %get3A_4, %dot_general3A {dimension_numbers = #tpu.dot_dimension_numbers<[1], [1], [0], [0], [0, 0, 1, 0], [], []>, transpose_lhs_hint = false} : vector<1024x2048xbf16>, vector<1024x2048xbf16>, vector<1024x1024xf32> -> vector<1024x1024xf32>
    %swap3A = arith.constant 0 : index
    %swap3A_6 = arith.constant 0 : index
    %swap3A_7 = vector.load %arg3[%swap3A, %swap3A_6] : memref<1024x1024xf32, #tpu.memory_space<vmem>>, vector<1024x1024xf32>
    tpu.vector_store %arg3[%swap3A, %swap3A_6], %dot_general3A_5 {strides = array<i32>} : memref<1024x1024xf32, #tpu.memory_space<vmem>>, vector<1024x1024xf32>,
    return
  }
  func.func @transform_0(%arg0: i32) -> (i32, i32) {
    %c0_i32 = arith.constant 0 : i32
    %c0_i32_0 = arith.constant 0 : i32
    return %arg0, %c0_i32 : i32, i32
  }
  func.func @transform_1(%arg0: i32) -> (i32, i32) {
    %c0_i32 = arith.constant 0 : i32
    %c0_i32_0 = arith.constant 0 : i32
    %c0_i32_1 = arith.constant 0 : i32
    return %c0_i32, %c0_i32_0 : i32, i32
  }
  func.func @transform_2(%arg0: i32) -> (i32, i32) {
    %c0_i32 = arith.constant 0 : i32
    %c0_i32_0 = arith.constant 0 : i32
    return %arg0, %c0_i32 : i32, i32
  }
}

</mosaic_0001>

<sc_bundles>
// kernel: kernel.5.cloned.1.call-start
scs
__scs_entry_jumppad:
0x0: {  	(pc) =	sbr.rel $0x88, $3  }
0x1: {  	(tag) =	ssettag $0x0;
	lr =	simm.s32 $0x1  }
0x2: {  	[smem:$0x3F9E] =	sst lr;
	_ =	strace $0xD0000000  }
0x3: {  	_ = 	snop  }
0x4: {  	_ = 	snop  }
0x5: {  	_ = 	snop  }
0x6: {  	_ = 	snop  }
0x7: {  	_ = 	snop  }
__scs_overlays_trampoline_lowered:
0x8: {  	[smem:$0x3FAD] =	sst s0  }
0x9: {  	[smem:$0x3FAE] =	sst s1  }
0xa: {  	[smem:$0x3FAF] =	sst s2  }
0xb: {  	[smem:$0x3FB0] =	sst s3  }
0xc: {  	[smem:$0x3FB1] =	sst s4  }
0xd: {  	[smem:$0x3FB2] =	sst s5  }
0xe: {  	[smem:$0x3FB3] =	sst s6  }
0xf: {  	[smem:$0x3FB4] =	sst s7  }
0x10: {  	[smem:$0x3FB5] =	sst s8  }
0x11: {  	[smem:$0x3FB6] =	sst s9;
	s0 =	simm.s32 @!p0 $0x0  }
0x12: {  	s1 =	sld [smem:$0x3F9C];
	s0 =	simm.s32 @p0 $0x1  }
0x13: {  	[smem:$0x3FB7] =	sst s0;
	s0 =	simm.s32 @!p1 $0x0  }
0x14: {  	s2 =	sld [smem:$0x3F9B];
	s0 =	simm.s32 @p1 $0x1  }
0x15: {  	[smem:$0x3FB8] =	sst s0;
	s0 =	simm.s32 @!p2 $0x0  }
0x16: {  	s3 =	sld [smem:$0x3FDB];
	s0 =	simm.s32 @p2 $0x1  }
0x17: {  	s4 =	simm.s32 $0x1BF5;
	[smem:$0x3FBA] =	sst s0  }
0x18: {  	s0 =	sld [smem:$0x3F9D];
	_ =	swait.ge [sflag:s4], $0x0  }
0x19: {  	s7 =	sld [smem:$0x3F9E]  }
0x1a: {  	s8 =	sadd.s32 $0xFFFFE003, lr  }
0x1b: {  	s9 =	sadd.s32 $0xFFFFFEF7, lr;
	s5 =	simm.s32 $0xFFFFFFFF;
	p2 =	slt.u32 s8, $0xFFFFF086  }
0x1c: {  	p1 =	slt.u32 s9, $0xF7A;
	s5 =	simm.s32 @!p2 $0x0  }
0x1d: {  	s5 =	simm.s32 @p1 $0x1;
	p0 =	seq.s32 s7, s2  }
0x1e: {  	s7 =	smul.u32 @!p0 $0xF7A, s2;
	p2 =	seq.s32 @!p0 s5, $0x0  }
0x1f: {  	s9 =	smul.u32 $0xF7A, s1;
	s8 =	simm.s32 @!p0 $0x1BF5;
	p2 =	por !p2, p0  }
0x20: {  	[sflag:s8] =	ssyncset.s32 @!p0 $0xFFFFF086;
	s6 =	sadd.s32 @!p0 s3, s7;
	s7 =	simm.s32 @!p0 $0x108  }
0x21: {  	s3 =	sadd.s32 s3, s9;
	s6 =	sadd.s32 @!p0 $0x88, s6;
	s7 =	simm.s32 @p2 $0x1082  }
0x22: {  	[simem:s7], [sflag:s8] =	dma.local @!p0 [hbm:s6], $0xF7A  }
0x23: {  	s9 =	sor.u32 $0xD0000000, s2;
	s6 =	simm.s32 $0x108;
	_ =	swait.ge @!p0 [sflag:s8], $0x0  }
0x24: {  	s3 =	sadd.s32 $0x88, s3;
	s6 =	simm.s32 @!p1 $0x1082;
	[sflag:s4] =	ssyncset.s32 $0xFFFFF086  }
0x25: {  	[simem:s6], [sflag:s4] =	dma.local [hbm:s3], $0xF7A  }
0x26: {  	[smem:$0x3F9E] =	sst s1;
	(tag) =	ssettag s2;
	_ =	strace s9  }
0x27: {  	s1 =	sld [smem:$0x3FAE]  }
0x28: {  	s2 =	sld [smem:$0x3FAF]  }
0x29: {  	s4 =	sld [smem:$0x3FB1]  }
0x2a: {  	p0 =	seq.s32 s5, $0x0;
	s5 =	sld [smem:$0x3FB2]  }
0x2b: {  	s6 =	sld [smem:$0x3FB3]  }
0x2c: {  	s7 =	sld [smem:$0x3FB4]  }
0x2d: {  	s3 =	simm.s32 $0x108;
	s8 =	sld [smem:$0x3FB5]  }
0x2e: {  	s3 =	simm.s32 @!p0 $0x1082;
	s9 =	sld [smem:$0x3FB6]  }
0x2f: {  	lr =	sadd.s32 s0, s3;
	s0 =	sld [smem:$0x3FAD]  }
0x30: {  	s3 =	sld [smem:$0x3FB0]  }
0x31: {  	[smem:$0x3FB9] =	sst s10  }
0x32: {  	s10 =	sld [smem:$0x3FB7];
	_ =	sdelay $0x3  }
0x33: {  	p0 =	seq.s32 s10, $0x1;
	s10 =	sld [smem:$0x3FB9];
	_ =	sdelay $0x3  }
0x34: {  	[smem:$0x3FB9] =	sst s10  }
0x35: {  	s10 =	sld [smem:$0x3FB8];
	_ =	sdelay $0x3  }
0x36: {  	p1 =	seq.s32 s10, $0x1;
	s10 =	sld [smem:$0x3FB9];
	_ =	sdelay $0x3  }
0x37: {  	[smem:$0x3FB9] =	sst s10  }
0x38: {  	s10 =	sld [smem:$0x3FBA]  }
0x39: {  	_ = 	snop;
	(pc) =	sbr.ind lr, $3  }
0x3a: {  	_ = 	snop  }
0x3b: {  	_ = 	snop  }
0x3c: {  	p2 =	seq.s32 s10, $0x1;
	s10 =	sld [smem:$0x3FB9]  }
0x3d: {  	_ =	shalt  }
0x3e: {  	_ =	shalt  }
0x3f: {  	_ =	shalt  }
0x40: {  	_ =	shalt  }
0x41: {  	_ =	shalt  }
0x42: {  	_ =	shalt  }
0x43: {  	_ =	shalt  }
0x44: {  	_ =	shalt  }
0x45: {  	_ =	shalt  }
0x46: {  	_ =	shalt  }
0x47: {  	_ =	shalt  }
0x48: {  	_ =	shalt  }
0x49: {  	_ =	shalt  }
0x4a: {  	_ =	shalt  }
0x4b: {  	_ =	shalt  }
0x4c: {  	_ =	shalt  }
0x4d: {  	_ =	shalt  }
0x4e: {  	_ =	shalt  }
0x4f: {  	_ =	shalt  }
0x50: {  	_ =	shalt  }
0x51: {  	_ =	shalt  }
0x52: {  	_ =	shalt  }
0x53: {  	_ =	shalt  }
0x54: {  	_ =	shalt  }
0x55: {  	_ =	shalt  }
0x56: {  	_ =	shalt  }
0x57: {  	_ =	shalt  }
0x58: {  	_ =	shalt  }
0x59: {  	_ =	shalt  }
0x5a: {  	_ =	shalt  }
0x5b: {  	_ =	shalt  }
0x5c: {  	_ =	shalt  }
0x5d: {  	_ =	shalt  }
0x5e: {  	_ =	shalt  }
0x5f: {  	_ =	shalt  }
0x60: {  	_ =	shalt  }
0x61: {  	_ =	shalt  }
0x62: {  	_ =	shalt  }
0x63: {  	_ =	shalt  }
0x64: {  	_ =	shalt  }
0x65: {  	_ =	shalt  }
0x66: {  	_ =	shalt  }
0x67: {  	_ =	shalt  }
0x68: {  	_ =	shalt  }
0x69: {  	_ =	shalt  }
0x6a: {  	_ =	shalt  }
0x6b: {  	_ =	shalt  }
0x6c: {  	_ =	shalt  }
0x6d: {  	_ =	shalt  }
0x6e: {  	_ =	shalt  }
0x6f: {  	_ =	shalt  }
0x70: {  	_ =	shalt  }
0x71: {  	_ =	shalt  }
0x72: {  	_ =	shalt  }
0x73: {  	_ =	shalt  }
0x74: {  	_ =	shalt  }
0x75: {  	_ =	shalt  }
0x76: {  	_ =	shalt  }
0x77: {  	_ =	shalt  }
0x78: {  	_ =	shalt  }
0x79: {  	_ =	shalt  }
0x7a: {  	_ =	shalt  }
0x7b: {  	_ =	shalt  }
0x7c: {  	_ =	shalt  }
0x7d: {  	_ =	shalt  }
0x7e: {  	_ =	shalt  }
0x7f: {  	_ =	shalt  }
0x80: {  	_ =	shalt  }
0x81: {  	_ =	shalt  }
0x82: {  	_ =	shalt  }
0x83: {  	_ =	shalt  }
0x84: {  	_ =	shalt  }
0x85: {  	_ =	shalt  }
0x86: {  	_ =	shalt  }
0x87: {  	_ =	shalt  }
.Lfunc_end0:
.L_simem_size_0:
called_computation_lowered:
.L_overlay_start_0:
0x88: {  	s2 =	sld [smem:$0x3FD9]  }
0x89: {  	s3 =	sld [smem:$0x3FFE];
	_ =	sdelay $0x1  }
0x8a: {  	s1 =	srdreg.scid  }
0x8b: {  	s0 =	sand.u32 $0x1, s1  }
0x8c: {  	s17 =	sshll.u32 s0, $0xA;
	s2 =	sadd.s32 s3, s2  }
0x8d: {  	s2 =	sadd.s32 s2, s17  }
0x8e: {  	[smem:$0x3FC5] =	sst s2  }
0x8f: {  	_ = 	snop  }
0x90: {  	s2 =	sld [smem:$0x3FD0];
	(tm) =	ssettm $0x1  }
0x91: {  	s18 =	sld [smem:$0x3FFB];
	_ =	sdelay $0x3  }
0x92: {  	_ =	strace s18  }
0x93: {  	s3 =	sld [smem:$0x3FFC];
	_ =	sdelay $0x3  }
0x94: {  	_ =	strace s3  }
0x95: {  	s3 =	sld [smem:$0x3FFD];
	_ =	sdelay $0x3  }
0x96: {  	_ =	strace s3  }
0x97: {  	_ =	strace $0x8FFFFFFF  }
0x98: {  	s19 =	sld [smem:$0x3FDB];
	_ =	sdelay $0x1  }
0x99: {  	s4 =	simm.s32 $_scs_section_size  }
0x9a: {  	s5 =	simm.s32 $_size__tile_overlayer_lowered;
	s6 =	simm.s32 $_tile_overlayer_lowered  }
0x9b: {  	s22 =	simm.s32 $0x1BFF;
	s21 =	sshll.u32 s6, $0x1;
	s3 =	sadd.s32 s4, s19  }
0x9c: {  	s7 =	simm.s32 $0x0;
	s20 =	sshll.u32 s5, $0x1;
	s5 =	sadd.s32 s21, s3  }
0x9d: {  	[timem:s7], [sflag:s22] =	dma.local [hbm:s5], s20  }
0x9e: {  	_ =	swait.ge [sflag:s22], s20  }
0x9f: {  	s4 =	ssub.s32 $0x0, s20;
	[sflag:s22] =	ssyncset.done $0x0  }
0xa0: {  	[sflag:s22] =	ssyncadd.s32 s4;
	_ =	sdelay $0x1  }
0xa1: {  	s23 =	simm.s32 $0x1B8B  }
0xa2: {  	_ =	swait.ge [sflag:s23], $0x1  }
0xa3: {  	[sflag:s23] =	ssyncset.done $0x0  }
0xa4: {  	s25 =	simm.s32 $0x1B8E;
	s24 =	sld [smem:$0x3FFE];
	[sflag:s23] =	ssyncadd.s32 $0xFFFFFFFF  }
0xa5: {  	s26 =	simm.s32 $execute0_lowered;
	[smem:$0x3FD2] =	sst s25  }
0xa6: {  	s5 =	sshll.u32 s26, $0x1;
	_ =	strace $0x80000046;
	[dreg:$0x1] =	wrdreg $0xFFFFFFFF  }
0xa7: {  	s28 =	simm.s32 $_size_execute0_lowered;
	s3 =	sadd.s32 s3, s5;
	[dreg:$0x0] =	wrdreg $0x0  }
0xa8: {  	s5 =	sshll.u32 s28, $0x1;
	[dreg:$0x2] =	wrdreg s3  }
0xa9: {  	[dreg:$0x3] =	wrdreg s5  }
0xaa: {  	[dreg:$0x4] =	wrdreg $0xC0  }
0xab: {  	_ =	task [dreg:s7], $0x5FFFF  }
0xac: {  	[dreg:$0x1] =	wrdreg $0xFFFFFFFF  }
0xad: {  	[dreg:$0x0] =	wrdreg $0x60  }
0xae: {  	[dreg:$0x2] =	wrdreg s24  }
0xaf: {  	[dreg:$0x3] =	wrdreg s2  }
0xb0: {  	[dreg:$0x4] =	wrdreg $0x9  }
0xb1: {  	_ =	task.clear_ibuf [dreg:s7], $0x5FFFF;
	_ =	strace $0x90000046  }
0xb2: {  	s29 =	simm.s32 $0x9;
	_ =	strace $0x80000048  }
0xb3: {  	_ =	swait.ge [sflag:s29], $0x1  }
0xb4: {  	[sflag:s29] =	ssyncadd.s32 $0xFFFFFFFF  }
0xb5: {  	_ =	strace $0x90000048  }
0xb6: {  	_ =	sfence  }
0xb7: {  	s30 =	sld [smem:$0x0];
	_ =	sdelay $0x2  }
0xb8: {  	s31 =	sshll.u32 s1, $0xD;
	s1 =	sshrl.u32 s1, $0x2  }
0xb9: {  	s3 =	sand.u32 $0x4000, s31;
	s1 =	sadd.s32 s1, s30  }
0xba: {  	s0 =	sor.u32 s3, s0;
	s1 =	sshll.u32 s1, $0x11  }
0xbb: {  	s0 =	sor.u32 s1, s0  }
0xbc: {  	s0 =	sadd.s32 $0x8F2B, s0  }
0xbd: {  	[sflag:s0] =	ssyncadd.remote.s32 $0x1  }
0xbe: {  	_ =	sfence.sel $0xFFFF  }
0xbf: {  	[dreg:$0x0] =	wrdreg $0xFFFFFFFF;
	(pc) =	sbr.abs _section_cstart, $3  }
0xc0: {  	[dreg:$0x1] =	wrdreg $0xFFFFFFFF  }
0xc1: {  	_ =	task.clear_ibuf [dreg:s7], $0x2FFFF;
	_ =	strace $0x9FFFFFFF  }
0xc2: {  	(tm) =	ssettm $0x7FFFFFFF  }
0xc3: {  	_ =	shalt  }
tec
execute0_lowered:
.L_overlay_start_1:
0x0: {  	(tag) =	ssettag $0x1  }
0x1: {  	s0 =	rddreg [dreg:$0x0]  }
0x2: {  	s1 =	rddreg [dreg:$0x1]  }
0x3: {  	s2 =	srdreg.scid;
	s5 =	simm.s32 $0x0;
	s4 =	stileid.u32  }
0x4: {  	s2 =	sand.u32 $0x1, s2;
	s4 =	sshll.u32 s4, $0x9;
	[smem:$0x7FF] =	sst s5  }
0x5: {  	s0 =	sadd.s32 $0x600, s0;
	s3 =	ssub.s32 $0x2, s2;
	s2 =	sshll.u32 s2, $0x8  }
.Ltmp0:
0x6: {  	_ =	strace $0x80000047;
	s4 =	sor.u32 s2, s4;
	(pc) =	sbr.rel .LBB2_1-.Ltmp0, $4  }
0x7: {  	v0 =	vlaneseq.u32;
	[dreg:$0x4] =	wrdreg s0;
	s26 =	sshrl.u32 s3, $0x1;
	s29 =	sshrl.u32 s4, $0x3  }
0x8: {  	v4 =	vmul.u32 $0xFFFFFFFF, v0;
	s28 =	ssub.s32 s3, s26;
	[dreg:$0x3] =	wrdreg s4;
	s30 =	sadd.s32 s1, s29  }
0x9: {  	v1 =	vimm.s32 $0x0;
	v2 =	vimm.s32 $0x80;
	s31 =	smax.u32 s28, $0x1;
	[dreg:$0x5] =	wrdreg s30  }
0xa: {  	v3 =	vimm.s32 $0x1;
	s10 =	simm.s32 $0x2100;
	v5 =	vimm.s32 $0x80000000;
	v4 =	vadd.s32 $0xF, v4;
	s2 =	simm.s32 $0x0;
	[dreg:$0x6] =	wrdreg s31  }
.LBB2_43:
0xb: {  	s0 =	simm.s32 $0x0  }
0xc: {  	s1 =	rddreg [dreg:$0x5];
	s2 =	simm.s32 $0x2200;
	s29 =	simm.s32 $0x1  }
0xd: {  	[hbm4b:s1+s0] =	stream.linear.scatter [tilespmem:s2], [sflag:$0x1], $0x100, $0x38;
	[tilespmem:$0x2300] =	vst v63  }
0xe: {  	_ =	swait.ge [sflag:s29], $0x100  }
0xf: {  	s30 =	rddreg [dreg:$0x7]  }
0x10: {  	s31 =	rddreg [dreg:$0x6];
	s2 =	sadd.s32 $0x1, s30  }
0x11: {  	p0 =	sne.s32 s2, s31  }
.Ltmp1:
0x12: {  	_ = 	snop;
	(pc) =	sbr.rel @!p0 .LBB2_44-.Ltmp1, $3  }
0x13: {  	_ =	sdelay $0x1  }
0x14: {  	[sflag:s29] =	ssyncset.done $0x0  }
0x15: {  	[sflag:s29] =	ssyncadd.s32 $0xFFFFFF00  }
.LBB2_1:
0x16: {  	[dreg:$0x7] =	wrdreg s2;
	s13 =	simm.s32 $0x0  }
.LBB2_2:
0x17: {  	s0 =	rddreg [dreg:$0x3]  }
0x18: {  	s1 =	sshll.u32 s13, $0x4;
	s2 =	rddreg [dreg:$0x4];
	s0 =	sadd.s32 s0, s13  }
0x19: {  	s29 =	simm.s32 $0x0;
	s1 =	sand.u32 $0x70, s1;
	s0 =	sshll.u32 s0, $0x8  }
0x1a: {  	s30 =	simm.s32 $0x80;
	s1 =	sadd.s32 s2, s1;
	s0 =	sand.u32 $0x1FF800, s0  }
0x1b: {  	s3 =	simm.s32 $0x400;
	s31 =	simm.s32 $0x1;
	s0 =	sadd.s32 s0, s1  }
0x1c: {  	[tilespmem:s29], [sflag:$0x1] =	stream.strided.gather [hbm4b:s0+s30], $0x800, s3, s30, $0x38;
	[tilespmem:$0x2300] =	vst v63  }
0x1d: {  	_ =	swait.ge [sflag:s31], $0x800  }
0x1e: {  	[sflag:s31] =	ssyncset.done $0x0  }
0x1f: {  	s0 =	simm.s32 $0x0;
	[sflag:s31] =	ssyncadd.s32 $0xFFFFF800  }
0x20: {  	s1 =	simm.s32 $0x40;
	v6 =	vld [tilespmem:s0+$0x0]  }
.LBB2_3:
0x21: {  	_ =	sdelay $0x1  }
0x22: {  	p0 =	sne.s32 s1, $0x1FC0  }
.Ltmp2:
0x23: {  	_ = 	snop;
	(pc) =	sbr.rel @p0 .LBB2_3-.Ltmp2, $4  }
0x24: {  	v7 =	vshra.s32 v6, $0x1F  }
0x25: {  	v8 =	vmov v6;
	v7 =	vand.u32 $0x7FFFFFFF, v7  }
0x26: {  	s2 =	sshra.s32 s1, $0x2;
	v7 =	vxor.u32 v8, v7  }
0x27: {  	s1 =	sadd.s32 $0x40, s1;
	v6 =	vld [tilespmem:s2+$0x0];
	[tilespmem:s0+$0x800] =	vst v7;
	s0 =	smov.u32 s2  }
0x28: {  	_ =	sdelay $0x3  }
0x29: {  	v7 =	vshra.s32 v6, $0x1F  }
0x2a: {  	v7 =	vand.u32 $0x7FFFFFFF, v7  }
0x2b: {  	v6 =	vxor.u32 v6, v7  }
0x2c: {  	[tilespmem:s0+$0x800] =	vst v6  }
0x2d: {  	[tilespmem:$0x2100] =	vst v1  }
0x2e: {  	[tilespmem:$0x2110] =	vst v1  }
0x2f: {  	[tilespmem:$0x2120] =	vst v1  }
0x30: {  	[tilespmem:$0x2130] =	vst v1  }
0x31: {  	[tilespmem:$0x2140] =	vst v1  }
0x32: {  	[tilespmem:$0x2150] =	vst v1  }
0x33: {  	[tilespmem:$0x2160] =	vst v1  }
0x34: {  	[tilespmem:$0x2170] =	vst v1  }
0x35: {  	[tilespmem:$0x2180] =	vst v1  }
0x36: {  	[tilespmem:$0x2190] =	vst v1  }
0x37: {  	[tilespmem:$0x21A0] =	vst v1  }
0x38: {  	[tilespmem:$0x21B0] =	vst v1  }
0x39: {  	[tilespmem:$0x21C0] =	vst v1  }
0x3a: {  	[tilespmem:$0x21D0] =	vst v1  }
0x3b: {  	[tilespmem:$0x21E0] =	vst v1  }
0x3c: {  	s14 =	simm.s32 $0x0;
	s0 =	simm.s32 $0x0;
	[tilespmem:$0x21F0] =	vst v1  }
.LBB2_5:
0x3d: {  	s1 =	sshra.s32 s0, $0x2  }
0x3e: {  	v6 =	vld [tilespmem:s1+$0x800];
	_ =	sdelay $0x4  }
0x3f: {  	v7 =	vshrl.u32 v6, $0x18;
	vm0 =	vlt.s32 v6, $0x0  }
0x40: {  	v6 =	vand.u32 $0x7F, v7;
	v7 =	vsel vm0, $0x0, v2  }
0x41: {  	p0 =	sne.s32 s0, $0x1FC0;
	v6 =	vor.u32 v6, v7  }
.Ltmp3:
0x42: {  	_ = 	snop;
	(pc) =	sbr.rel @p0 .LBB2_5-.Ltmp3, $2  }
0x43: {  	_ =	sdelay $0x2  }
0x44: {  	s0 =	sadd.s32 $0x40, s0;
	[tilespmem:v6+s10+$0x0] =	vst.idx.add.s32.msk $0xffff, v3  }
0x45: {  	s0 =	simm.s32 $0x21F0  }
0x46: {  	v7 =	vld [tilespmem:s0+$0x0];
	_ =	sdelay $0x4  }
0x47: {  	(xrf0) =	vadd.scan.msk.s32 $0xffff, v7;
	_ =	sdelay $0x4  }
0x48: {  	s19 =	simm.s32 $0x21E0  }
0x49: {  	v9 =	vld [tilespmem:s19+$0x0];
	v8, _, _ =	vpop (xrf0)  }
0x4a: {  	(v2sf) =	vpush v8, $0xF  }
0x4b: {  	v6 =	vperm.xlane v7, v4;
	_ =	sdelay $0x1  }
0x4c: {  	(xrf0) =	vadd.scan.msk.s32 $0xffff, v6  }
0x4d: {  	(xrf0) =	vadd.scan.msk.s32 $0xffff, v9;
	_ =	sdelay $0x3  }
0x4e: {  	s20 =	simm.s32 $0x21D0;
	v11 =	vperm.xlane v9, v4  }
0x4f: {  	v10 =	vld [tilespmem:s20+$0x0];
	v6, _, _ =	vpop (xrf0)  }
0x50: {  	(xrf0) =	vadd.scan.msk.s32 $0xffff, v11;
	v8, _, _ =	vpop (xrf0);
	v6 =	vadd.s32 s14, v6  }
0x51: {  	(v2sf) =	vpush v8, $0xF;
	vm0 =	vgt.s32 v6, $0x3F  }
0x52: {  	v6 =	vmctz.xlane vm0;
	_ =	sdelay $0x1  }
0x53: {  	s21 =	simm.s32 $0x21C0;
	(xrf0) =	vadd.scan.msk.s32 $0xffff, v10  }
0x54: {  	v8 =	vld [tilespmem:s21+$0x0];
	s22 =	spop (v2sf)  }
0x55: {  	(v2sf) =	vpush v6, $0x0;
	v6, _, _ =	vpop (xrf0);
	s16 =	sadd.s32 $0x0, s22  }
0x56: {  	v11 =	vperm.xlane v10, v4;
	v6 =	vadd.s32 s16, v6;
	_ =	sdelay $0x1  }
0x57: {  	(xrf0) =	vadd.scan.msk.s32 $0xffff, v11  }
0x58: {  	vm9 =	vgt.s32 v6, $0x3F;
	v6, _, _ =	vpop (xrf0);
	(xrf0) =	vadd.scan.msk.s32 $0xffff, v8  }
0x59: {  	v11 =	vmctz.xlane vm9  }
0x5a: {  	(v2sf) =	vpush v6, $0xF  }
0x5b: {  	(v2sf) =	vpush v11, $0x0;
	_ =	sdelay $0x1  }
0x5c: {  	v6, _, _ =	vpop (xrf0)  }
0x5d: {  	s23 =	spop (v2sf);
	v11, _, _ =	vpop (xrf0)  }
0x5e: {  	s17 =	sadd.s32 s16, s23;
	(v2sf) =	vpush v11, $0xF  }
0x5f: {  	v6 =	vadd.s32 s17, v6  }
0x60: {  	s24 =	simm.s32 $0x21B0;
	vm10 =	vgt.s32 v6, $0x3F  }
0x61: {  	v6 =	vld [tilespmem:s24+$0x0];
	v11 =	vmctz.xlane vm10  }
0x62: {  	s25 =	spop (v2sf)  }
0x63: {  	s1 =	simm.s32 $0xF0;
	s0 =	ssub.s32 $0xF0, s25;
	(v2sf) =	vpush v11, $0x0;
	v11 =	vperm.xlane v8, v4  }
0x64: {  	v12 =	vor.u32 s1, v0;
	s0 =	sadd.s32 $0xF, s0  }
0x65: {  	vm11 =	vgt.s32 v12, s0;
	(xrf0) =	vadd.scan.msk.s32 $0xffff, v11  }
0x66: {  	s26 =	simm.s32 $0x21A0;
	v58 =	vperm.xlane v6, v4;
	v11 =	vnsel vm11, $0x0, v7;
	(xrf0) =	vadd.scan.msk.s32 $0xffff, v6  }
0x67: {  	v7 =	vld [tilespmem:s26+$0x0];
	(xrf0) =	vadd.scan.msk.s32 $0xffff, v11  }
0x68: {  	s3 =	simm.s32 $0xE0;
	(xrf0) =	vadd.scan.msk.s32 $0xffff, v58;
	s2 =	spop (v2sf)  }
0x69: {  	v11 =	vor.u32 s3, v0;
	s29 =	spop (v2sf)  }
0x6a: {  	s5 =	ssub.s32 $0xE0, s29  }
0x6b: {  	v59, _, _ =	vpop (xrf0);
	s5 =	sadd.s32 $0xF, s5  }
0x6c: {  	s18 =	sadd.s32 s17, s2;
	(xrf0) =	vadd.scan.msk.s32 $0xffff, v7;
	vm12 =	vgt.s32 v11, s5;
	v11, _, _ =	vpop (xrf0)  }
0x6d: {  	p0 =	por $0x1, $0x1;
	p1 =	sgt.s32 s16, $0x3F;
	v12 =	vadd.s32 s18, v59;
	v9 =	vnsel vm12, $0x0, v9;
	v60, _, _ =	vpop (xrf0);
	s30 =	spop (v2sf)  }
0x6e: {  	s15 =	simm.s32 $0xFFFFFFFF;
	p0 =	por !p0, !p1;
	vm13 =	vgt.s32 v12, $0x3F;
	(v2sf) =	vpush v11, $0xF;
	(xrf0) =	vadd.scan.msk.s32 $0xffff, v9;
	v14, _, _ =	vpop (xrf0);
	s19 =	sadd.s32 s18, s30  }
0x6f: {  	s4 =	simm.s32 $0xD0;
	s28 =	simm.s32 $0x0;
	p0 =	por !p0, !p0;
	v13 =	vmctz.xlane vm13;
	v11 =	vadd.s32 s19, v14  }
0x70: {  	s1 =	simm.s32 $0xC0;
	s20 =	simm.s32 $0x70;
	s15 =	smov.u32 @p0 s0;
	vm14 =	vgt.s32 v11, $0x3F;
	v11 =	vperm.xlane v7, v4  }
0x71: {  	s21 =	simm.s32 $0x90;
	p2 =	sgt.s32 s17, $0x3F;
	p5 =	slt.s32 s15, $0x0;
	(v2sf) =	vpush v13, $0x0  }
0x72: {  	s22 =	simm.s32 $0x80;
	p1 =	por !p5, !p2;
	s2 =	simm.s32 $0x2190;
	(v2sf) =	vpush v60, $0xF;
	v61, _, _ =	vpop (xrf0);
	v62 =	vmctz.xlane vm14  }
0x73: {  	s23 =	simm.s32 $0x60;
	s25 =	simm.s32 $0xB0;
	p2 =	por !p1, !p1;
	v9 =	vld [tilespmem:s2+$0x0];
	(v2sf) =	vpush v61, $0xF  }
0x74: {  	p0 =	por p0, p0;
	s15 =	smov.u32 @p2 s5;
	s31 =	spop (v2sf);
	(xrf0) =	vadd.scan.msk.s32 $0xffff, v11;
	(v2sf) =	vpush v62, $0x0;
	v11, _, _ =	vpop (xrf0)  }
0x75: {  	p3 =	sgt.s32 s18, $0x3F;
	p6 =	slt.s32 s15, $0x0;
	s0 =	ssub.s32 $0xD0, s31;
	(v2sf) =	vpush v11, $0xF  }
0x76: {  	v63 =	vor.u32 s4, v0;
	p1 =	por p0, p0;
	p3 =	por !p6, !p3;
	s0 =	sadd.s32 $0xF, s0  }
0x77: {  	p0 =	por p2, p2;
	s26 =	simm.s32 $0xA0;
	p2 =	por !p3, !p3;
	vm15 =	vgt.s32 v63, s0  }
0x78: {  	s3 =	simm.s32 $0x50;
	s15 =	smov.u32 @p2 s0;
	s0 =	smov.u32 s19;
	(xrf0) =	vadd.scan.msk.s32 $0xffff, v9;
	v10 =	vnsel vm15, $0x0, v10  }
.LBB2_7:
0x79: {  	p3 =	sne.s32 s3, $0x0  }
0x7a: {  	s2 =	sadd.s32 $0xFFFFFFF0, s2;
	s4 =	smov.u32 s17;
	s17 =	smov.u32 s18  }
0x7b: {  	s18 =	smov.u32 s19;
	s5 =	smov.u32 s1;
	p4 =	por p1, p1  }
0x7c: {  	(xrf0) =	vadd.scan.msk.s32 $0xffff, v10;
	v11 =	vmov v9;
	p1 =	por p0, p0;
	p0 =	por p2, p2;
	s1 =	smov.u32 s25  }
0x7d: {  	s25 =	smov.u32 s26;
	s26 =	smov.u32 s21;
	v9 =	vld [tilespmem:s2+$0x0];
	s6 =	spop (v2sf)  }
0x7e: {  	s21 =	smov.u32 s22;
	s22 =	smov.u32 s20;
	v10, _, _ =	vpop (xrf0);
	s19 =	sadd.s32 s19, s6  }
0x7f: {  	s20 =	smov.u32 s23;
	s23 =	smov.u32 s3;
	p2 =	slt.s32 s15, $0x0;
	v12 =	vperm.xlane v11, v4;
	v13, _, _ =	vpop (xrf0);
	v10 =	vadd.s32 s19, v10  }
.Ltmp4:
0x80: {  	p5 =	sgt.s32 s0, $0x3F;
	(v2sf) =	vpush v13, $0xF;
	vm0 =	vgt.s32 v10, $0x3F;
	s0 =	spop (v2sf);
	(pc) =	sbr.rel @p3 .LBB2_7-.Ltmp4, $4  }
0x81: {  	p2 =	por !p2, !p5;
	(xrf0) =	vadd.scan.msk.s32 $0xffff, v12;
	v10 =	vmctz.xlane vm0;
	s0 =	ssub.s32 s5, s0;
	s6 =	spop (v2sf)  }
0x82: {  	p2 =	por !p2, !p2;
	v12 =	vor.u32 s5, v0;
	(xrf0) =	vadd.scan.msk.s32 $0xffff, v9;
	s0 =	sadd.s32 $0xF, s0;
	v13, _, _ =	vpop (xrf0);
	s5 =	sadd.s32 s28, s6  }
0x83: {  	(v2sf) =	vpush v10, $0x0;
	vm0 =	vgt.s32 v12, s0;
	s15 =	smov.u32 @p2 s0;
	s14 =	smov.u32 @p4 s5;
	s0 =	smov.u32 s19  }
0x84: {  	s3 =	sadd.s32 $0xFFFFFFF0, s3;
	s28 =	smov.u32 s16;
	s16 =	smov.u32 s4;
	v10 =	vnsel vm0, $0x0, v8;
	(v2sf) =	vpush v13, $0xF;
	v8 =	vmovc v6;
	v6 =	vmovc v7;
	v7 =	vmov v11  }
0x85: {  	_ = 	snop  }
0x86: {  	s3 =	spop (v2sf)  }
0x87: {  	s2 =	sadd.s32 $0xFFFFFFF0, s2;
	s24 =	sadd.s32 s19, s3;
	v11, _, _ =	vpop (xrf0)  }
0x88: {  	v13 =	vperm.xlane v9, v4;
	v12 =	vld [tilespmem:s2+$0x0];
	s6 =	spop (v2sf);
	v11 =	vadd.s32 s24, v11  }
0x89: {  	(xrf0) =	vadd.scan.msk.s32 $0xffff, v10;
	s3 =	ssub.s32 s1, s6;
	vm0 =	vgt.s32 v11, $0x3F  }
0x8a: {  	v57 =	vor.u32 s1, v0;
	s4 =	sadd.s32 $0xFFFFFFF0, s2;
	v56, _, _ =	vpop (xrf0);
	(xrf0) =	vadd.scan.msk.s32 $0xffff, v13;
	s12 =	sadd.s32 $0xF, s3;
	v11 =	vmctz.xlane vm0  }
0x8b: {  	v58 =	vld [tilespmem:s4+$0x0];
	(v2sf) =	vpush v56, $0xF;
	vm4 =	vgt.s32 v57, s12  }
0x8c: {  	v8 =	vnsel vm4, $0x0, v8;
	(v2sf) =	vpush v11, $0x0  }
0x8d: {  	(xrf0) =	vadd.scan.msk.s32 $0xffff, v12;
	v59 =	vperm.xlane v12, v4  }
0x8e: {  	s2 =	spop (v2sf);
	(xrf0) =	vadd.scan.msk.s32 $0xffff, v8  }
0x8f: {  	v8, _, _ =	vpop (xrf0);
	(xrf0) =	vadd.scan.msk.s32 $0xffff, v59;
	s7 =	spop (v2sf)  }
0x90: {  	v60, _, _ =	vpop (xrf0);
	(xrf0) =	vadd.scan.msk.s32 $0xffff, v58;
	s29 =	sadd.s32 s24, s7  }
0x91: {  	v10 =	vadd.s32 s29, v60  }
0x92: {  	vm5 =	vgt.s32 v10, $0x3F  }
0x93: {  	(v2sf) =	vpush v8, $0xF;
	v8, _, _ =	vpop (xrf0);
	v10 =	vmctz.xlane vm5  }
0x94: {  	(v2sf) =	vpush v8, $0xF;
	v8, _, _ =	vpop (xrf0)  }
0x95: {  	v61, _, _ =	vpop (xrf0);
	(v2sf) =	vpush v10, $0x0  }
0x96: {  	(v2sf) =	vpush v8, $0xF;
	v8, _, _ =	vpop (xrf0)  }
0x97: {  	(v2sf) =	vpush v8, $0xF  }
0x98: {  	s8 =	spop (v2sf)  }
0x99: {  	s9 =	sadd.s32 $0xFFFFFFF0, s4;
	s5 =	spop (v2sf);
	s1 =	ssub.s32 s25, s8  }
0x9a: {  	v62 =	vld [tilespmem:s9+$0x0];
	s8 =	sadd.s32 $0xF, s1;
	v8 =	vor.u32 s25, v0;
	s11 =	spop (v2sf)  }
0x9b: {  	vm6 =	vgt.s32 v8, s8;
	s25 =	spop (v2sf)  }
0x9c: {  	v8 =	vperm.xlane v58, v4;
	v6 =	vnsel vm6, $0x0, v6;
	s1 =	ssub.s32 s26, s25  }
0x9d: {  	(xrf0) =	vadd.scan.msk.s32 $0xffff, v6;
	v6 =	vor.u32 s26, v0;
	s6 =	sadd.s32 $0xF, s1  }
0x9e: {  	(xrf0) =	vadd.scan.msk.s32 $0xffff, v8;
	vm7 =	vgt.s32 v6, s6  }
0x9f: {  	(xrf0) =	vadd.scan.msk.s32 $0xffff, v62;
	v6 =	vnsel vm7, $0x0, v7;
	v7 =	vperm.xlane v62, v4  }
0xa0: {  	s1 =	sadd.s32 s29, s11;
	(xrf0) =	vadd.scan.msk.s32 $0xffff, v6  }
0xa1: {  	(xrf0) =	vadd.scan.msk.s32 $0xffff, v7;
	v7 =	vadd.s32 s1, v61  }
0xa2: {  	s11 =	spop (v2sf);
	vm8 =	vgt.s32 v7, $0x3F  }
0xa3: {  	s26 =	spop (v2sf);
	v6, _, _ =	vpop (xrf0);
	v7 =	vmctz.xlane vm8  }
0xa4: {  	v8, _, _ =	vpop (xrf0);
	s30 =	spop (v2sf)  }
0xa5: {  	s25 =	sadd.s32 s1, s26;
	v63, _, _ =	vpop (xrf0);
	s7 =	spop (v2sf)  }
0xa6: {  	v8 =	vadd.s32 s25, v8;
	v14, _, _ =	vpop (xrf0);
	s31 =	spop (v2sf)  }
0xa7: {  	(v2sf) =	vpush v7, $0x0;
	vm9 =	vgt.s32 v8, $0x3F;
	v7, _, _ =	vpop (xrf0);
	s26 =	sadd.s32 s25, s31  }
0xa8: {  	(v2sf) =	vpush v6, $0xF;
	v6 =	vmctz.xlane vm9;
	v7 =	vadd.s32 s26, v7  }
0xa9: {  	(v2sf) =	vpush v63, $0xF;
	vm10 =	vgt.s32 v7, $0x3F  }
0xaa: {  	(v2sf) =	vpush v6, $0x0;
	v6 =	vmctz.xlane vm10  }
0xab: {  	(v2sf) =	vpush v14, $0xF  }
0xac: {  	(v2sf) =	vpush v6, $0x0;
	_ =	sdelay $0x3  }
0xad: {  	p3 =	slt.s32 s15, $0x0;
	p4 =	sgt.s32 s0, $0x3F  }
0xae: {  	p3 =	por !p3, !p4  }
0xaf: {  	p0 =	por p0, p0;
	p3 =	por !p3, !p3  }
0xb0: {  	p2 =	por p2, p2;
	p0 =	por p0, p0;
	s15 =	smov.u32 @p3 s12  }
0xb1: {  	p5 =	sgt.s32 s24, $0x3F;
	p6 =	slt.s32 s15, $0x0;
	s9 =	ssub.s32 s21, s30  }
0xb2: {  	p4 =	por !p6, !p5;
	p5 =	por p1, p1;
	s9 =	sadd.s32 $0xF, s9;
	v6 =	vor.u32 s21, v0  }
0xb3: {  	p1 =	por !p4, !p4;
	p6 =	sgt.s32 s29, $0x3F;
	vm11 =	vgt.s32 v6, s9;
	s30 =	spop (v2sf)  }
0xb4: {  	s5 =	sadd.s32 s16, s5;
	s15 =	smov.u32 @p1 s8;
	v6 =	vnsel vm11, $0x0, v9;
	s21 =	spop (v2sf)  }
0xb5: {  	(xrf0) =	vadd.scan.msk.s32 $0xffff, v6;
	v6 =	vor.u32 s22, v0;
	s3 =	ssub.s32 s22, s30;
	s22 =	sadd.s32 s28, s2;
	s0 =	spop (v2sf)  }
0xb6: {  	s12 =	sadd.s32 $0xF, s3;
	s14 =	smov.u32 @p5 s22;
	s31 =	spop (v2sf)  }
0xb7: {  	p5 =	slt.s32 s15, $0x0;
	s4 =	ssub.s32 s20, s31;
	s30 =	spop (v2sf)  }
0xb8: {  	vm12 =	vgt.s32 v6, s12;
	v6 =	vor.u32 s20, v0;
	p4 =	por !p5, !p6;
	s4 =	sadd.s32 $0xF, s4;
	s31 =	spop (v2sf)  }
0xb9: {  	s14 =	smov.u32 @p0 s5;
	v7 =	vnsel vm12, $0x0, v12;
	p0 =	por !p4, !p4;
	vm13 =	vgt.s32 v6, s4;
	s20 =	ssub.s32 s23, s31  }
0xba: {  	p2 =	por p2, p2;
	(xrf0) =	vadd.scan.msk.s32 $0xffff, v7;
	s15 =	smov.u32 @p0 s6;
	v6 =	vor.u32 s23, v0;
	v7 =	vnsel vm13, $0x0, v58;
	s2 =	sadd.s32 $0xF, s20  }
0xbb: {  	p3 =	por p3, p3;
	p6 =	sgt.s32 s1, $0x3F;
	p5 =	slt.s32 s15, $0x0;
	(xrf0) =	vadd.scan.msk.s32 $0xffff, v7;
	vm14 =	vgt.s32 v6, s2  }
0xbc: {  	p2 =	por p2, p2;
	p3 =	por p3, p3;
	p4 =	por !p5, !p6;
	v6 =	vnsel vm14, $0x0, v62  }
0xbd: {  	s5 =	sadd.s32 s17, s11;
	p6 =	por p1, p1;
	p1 =	por !p4, !p4;
	v7, _, _ =	vpop (xrf0);
	(xrf0) =	vadd.scan.msk.s32 $0xffff, v6  }
0xbe: {  	s14 =	smov.u32 @p2 s5;
	p2 =	por p3, p3;
	s15 =	smov.u32 @p1 s9  }
0xbf: {  	s5 =	sadd.s32 s18, s7;
	p4 =	sgt.s32 s25, $0x3F;
	p3 =	slt.s32 s15, $0x0;
	(v2sf) =	vpush v7, $0xF  }
0xc0: {  	s14 =	smov.u32 @p2 s5;
	p2 =	por !p3, !p4;
	v6, _, _ =	vpop (xrf0)  }
0xc1: {  	s0 =	sadd.s32 s26, s0;
	p2 =	por !p2, !p2;
	(v2sf) =	vpush v6, $0xF;
	v6, _, _ =	vpop (xrf0)  }
0xc2: {  	p0 =	por p0, p0;
	p6 =	por p6, p6;
	s15 =	smov.u32 @p2 s12;
	(v2sf) =	vpush v6, $0xF  }
0xc3: {  	p3 =	por p6, p6;
	p6 =	sgt.s32 s26, $0x3F;
	p4 =	slt.s32 s15, $0x0;
	v6, _, _ =	vpop (xrf0)  }
0xc4: {  	s5 =	sadd.s32 s19, s21;
	p0 =	por p0, p0;
	p4 =	por !p4, !p6;
	(v2sf) =	vpush v6, $0xF  }
0xc5: {  	p5 =	por p0, p0;
	s23 =	simm.s32 $0x0;
	p0 =	por !p4, !p4  }
0xc6: {  	s3 =	sadd.s32 s24, s30;
	v7 =	vld [tilespmem:s23+$0x800];
	s14 =	smov.u32 @p3 s5;
	s15 =	smov.u32 @p0 s4  }
0xc7: {  	s14 =	smov.u32 @p5 s3;
	p6 =	sgt.s32 s0, $0x3F;
	p5 =	slt.s32 s15, $0x0  }
0xc8: {  	p3 =	por !p5, !p6  }
0xc9: {  	p3 =	por !p3, !p3  }
0xca: {  	s15 =	smov.u32 @p3 s2  }
0xcb: {  	p1 =	por p1, p1;
	v8 =	vshrl.u32 v7, $0x18;
	v6 =	vmov s15  }
0xcc: {  	p1 =	por p1, p1;
	v8 =	vxor.u32 v6, v8  }
0xcd: {  	p1 =	por p1, p1;
	vm15 =	veq.s32 v8, $0x80  }
0xce: {  	p2 =	por p2, p2;
	p0 =	por p0, p0;
	v8 =	vmpcnt.ones.xlane vm15;
	s28 =	spop (v2sf)  }
0xcf: {  	p2 =	por p2, p2;
	p0 =	por p0, p0;
	s0 =	sadd.s32 s29, s28  }
0xd0: {  	p0 =	por p0, p0;
	(v2sf) =	vpush v8, $0x0;
	s14 =	smov.u32 @p1 s0;
	s29 =	spop (v2sf)  }
0xd1: {  	p1 =	por p2, p2;
	s0 =	sadd.s32 s1, s29;
	s30 =	spop (v2sf)  }
0xd2: {  	p5 =	por p3, p3;
	s14 =	smov.u32 @p1 s0;
	s0 =	sadd.s32 s25, s30  }
0xd3: {  	p6 =	por p5, p5;
	s14 =	smov.u32 @p0 s0;
	s31 =	spop (v2sf)  }
0xd4: {  	p0 =	por p6, p6;
	s0 =	simm.s32 $0x0;
	s1 =	sadd.s32 s26, s31  }
0xd5: {  	s2 =	simm.s32 $0x10;
	[tilespmem:s0+$0x1000] =	vst.msk vm15, v7;
	s14 =	smov.u32 @p0 s1;
	s1 =	simm.s32 $0x80  }
.LBB2_9:
0xd6: {  	p0 =	sne.s32 s1, $0x1FC0;
	v7 =	vld [tilespmem:s2+$0x800];
	_ =	sdelay $0x4  }
0xd7: {  	v8 =	vshrl.u32 v7, $0x18  }
0xd8: {  	v8 =	vxor.u32 v6, v8  }
0xd9: {  	vm0 =	veq.s32 v8, $0x80  }
0xda: {  	v8 =	vmpcnt.ones.xlane vm0  }
0xdb: {  	s2 =	spop (v2sf)  }
0xdc: {  	(v2sf) =	vpush v8, $0x0;
	s0 =	sadd.s32 s0, s2  }
.Ltmp5:
0xdd: {  	[tilespmem:s0+$0x1000] =	vst.msk vm0, v7;
	(pc) =	sbr.rel @p0 .LBB2_9-.Ltmp5, $2  }
0xde: {  	_ =	sdelay $0x2  }
0xdf: {  	s2 =	sshra.s32 s1, $0x2;
	s1 =	sadd.s32 $0x40, s1  }
0xe0: {  	v7 =	vld [tilespmem:s2+$0x800];
	_ =	sdelay $0x4  }
0xe1: {  	v8 =	vshrl.u32 v7, $0x18  }
0xe2: {  	v6 =	vxor.u32 v6, v8  }
0xe3: {  	vm0 =	veq.s32 v6, $0x80  }
0xe4: {  	v6 =	vmpcnt.ones.xlane vm0;
	_ =	sdelay $0x1  }
0xe5: {  	(v2sf) =	vpush v6, $0x0;
	_ =	sdelay $0xd  }
0xe6: {  	s1 =	spop (v2sf)  }
0xe7: {  	s0 =	sadd.s32 s0, s1;
	s31 =	spop (v2sf)  }
0xe8: {  	[tilespmem:s0+$0x1000] =	vst.msk vm0, v7;
	s0 =	sadd.s32 s0, s31  }
0xe9: {  	[tilespmem:s0+$0x1000] =	vst v5  }
0xea: {  	[tilespmem:$0x2100] =	vst v1  }
0xeb: {  	[tilespmem:$0x2110] =	vst v1  }
0xec: {  	[tilespmem:$0x2120] =	vst v1  }
0xed: {  	[tilespmem:$0x2130] =	vst v1  }
0xee: {  	[tilespmem:$0x2140] =	vst v1  }
0xef: {  	[tilespmem:$0x2150] =	vst v1  }
0xf0: {  	[tilespmem:$0x2160] =	vst v1  }
0xf1: {  	[tilespmem:$0x2170] =	vst v1  }
0xf2: {  	s0 =	sadd.s32 $0xF, s0;
	[tilespmem:$0x2180] =	vst v1  }
0xf3: {  	[tilespmem:$0x2190] =	vst v1;
	s18 =	sshra.s32 s0, $0x4  }
0xf4: {  	[tilespmem:$0x21A0] =	vst v1;
	p0 =	sgt.s32 s18, $0x0  }
.Ltmp6:
0xf5: {  	[tilespmem:$0x21B0] =	vst v1;
	(pc) =	sbr.rel @!p0 .LBB2_11-.Ltmp6, $4  }
0xf6: {  	[tilespmem:$0x21C0] =	vst v1  }
0xf7: {  	[tilespmem:$0x21D0] =	vst v1  }
0xf8: {  	[tilespmem:$0x21E0] =	vst v1  }
0xf9: {  	[tilespmem:$0x21F0] =	vst v1;
	s0 =	simm.s32 $0x1000  }
0xfa: {  	p0 =	seq.s32 s18, $0x1  }
.Ltmp7:
0xfb: {  	_ = 	snop;
	(pc) =	sbr.rel @p0 .LBB2_17-.Ltmp7, $2  }
0xfc: {  	_ =	sdelay $0x2  }
0xfd: {  	v6 =	vld [tilespmem:s0+$0x0];
	s1 =	sadd.s32 $0xFFFFFFFF, s18  }
.LBB2_16:
0xfe: {  	p0 =	seq.s32 s1, $0x1;
	_ =	sdelay $0x3  }
0xff: {  	v6 =	vshrl.u32 v6, $0x10  }
0x100: {  	v6 =	vand.u32 $0xFF, v6;
	_ =	sdelay $0x1  }
.Ltmp8:
0x101: {  	(pc) =	sbr.rel @!p0 .LBB2_16-.Ltmp8, $3  }
0x102: {  	_ =	sdelay $0x1  }
0x103: {  	s0 =	sadd.s32 $0x10, s0;
	[tilespmem:v6+s10+$0x0] =	vst.idx.add.s32.msk $0xffff, v3  }
0x104: {  	s1 =	sadd.s32 $0xFFFFFFFF, s1;
	v6 =	vld [tilespmem:s0+$0x0]  }
.LBB2_17:
0x105: {  	_ =	sdelay $0x3  }
0x106: {  	v6 =	vshrl.u32 v6, $0x10  }
0x107: {  	v6 =	vand.u32 $0xFF, v6;
	_ =	sdelay $0x4  }
0x108: {  	[tilespmem:v6+s10+$0x0] =	vst.idx.add.s32.msk $0xffff, v3  }
.LBB2_11:
0x109: {  	s1 =	simm.s32 $0x21F0  }
0x10a: {  	v8 =	vld [tilespmem:s1+$0x0];
	_ =	sdelay $0x4  }
0x10b: {  	(xrf0) =	vadd.scan.msk.s32 $0xffff, v8;
	_ =	sdelay $0x5  }
0x10c: {  	s12 =	simm.s32 $0x21E0;
	v10, _, _ =	vpop (xrf0)  }
0x10d: {  	v9 =	vld [tilespmem:s12+$0x0];
	(v2sf) =	vpush v10, $0xF  }
0x10e: {  	v7 =	vperm.xlane v8, v4;
	_ =	sdelay $0x1  }
0x10f: {  	(xrf0) =	vadd.scan.msk.s32 $0xffff, v7;
	_ =	sdelay $0x1  }
0x110: {  	(xrf0) =	vadd.scan.msk.s32 $0xffff, v9;
	_ =	sdelay $0x2  }
0x111: {  	s0 =	sshll.u32 s15, $0x18;
	s15 =	simm.s32 $0x21D0;
	v12 =	vperm.xlane v9, v4  }
0x112: {  	s14 =	ssub.s32 $0x40, s14;
	s17 =	simm.s32 $0x0;
	v11 =	vld [tilespmem:s15+$0x0];
	v7, _, _ =	vpop (xrf0)  }
0x113: {  	v6 =	vmov s14;
	(xrf0) =	vadd.scan.msk.s32 $0xffff, v12;
	v7 =	vadd.s32 s17, v7  }
0x114: {  	v10, _, _ =	vpop (xrf0);
	vm0 =	vge.s32 v7, v6  }
0x115: {  	(v2sf) =	vpush v10, $0xF;
	v7 =	vmctz.xlane vm0;
	_ =	sdelay $0x1  }
0x116: {  	s19 =	simm.s32 $0x21C0;
	(xrf0) =	vadd.scan.msk.s32 $0xffff, v11  }
0x117: {  	v10 =	vld [tilespmem:s19+$0x0];
	s20 =	spop (v2sf)  }
0x118: {  	(v2sf) =	vpush v7, $0x0;
	v7, _, _ =	vpop (xrf0);
	s19 =	sadd.s32 $0x0, s20  }
0x119: {  	v47 =	vperm.xlane v11, v4;
	v7 =	vadd.s32 s19, v7;
	_ =	sdelay $0x1  }
0x11a: {  	(xrf0) =	vadd.scan.msk.s32 $0xffff, v47;
	vm9 =	vge.s32 v7, v6  }
0x11b: {  	v48 =	vmctz.xlane vm9;
	v7, _, _ =	vpop (xrf0);
	(xrf0) =	vadd.scan.msk.s32 $0xffff, v10  }
0x11c: {  	(v2sf) =	vpush v7, $0xF  }
0x11d: {  	(v2sf) =	vpush v48, $0x0;
	_ =	sdelay $0x2  }
0x11e: {  	v7, _, _ =	vpop (xrf0)  }
0x11f: {  	v49, _, _ =	vpop (xrf0)  }
0x120: {  	s21 =	spop (v2sf);
	(v2sf) =	vpush v49, $0xF  }
0x121: {  	s20 =	sadd.s32 s19, s21  }
0x122: {  	s22 =	simm.s32 $0x21B0;
	v7 =	vadd.s32 s20, v7  }
0x123: {  	vm10 =	vge.s32 v7, v6;
	v7 =	vld [tilespmem:s22+$0x0]  }
0x124: {  	s23 =	spop (v2sf);
	v50 =	vmctz.xlane vm10  }
0x125: {  	s11 =	simm.s32 $0xF0;
	v51 =	vperm.xlane v10, v4;
	s1 =	ssub.s32 $0xF0, s23  }
0x126: {  	v13 =	vor.u32 s11, v0;
	s1 =	sadd.s32 $0xF, s1;
	(v2sf) =	vpush v50, $0x0  }
0x127: {  	s24 =	simm.s32 $0x21A0;
	(xrf0) =	vadd.scan.msk.s32 $0xffff, v51;
	vm11 =	vgt.s32 v13, s1  }
0x128: {  	v52 =	vnsel vm11, $0x0, v8;
	v8 =	vld [tilespmem:s24+$0x0];
	(xrf0) =	vadd.scan.msk.s32 $0xffff, v7;
	v53 =	vperm.xlane v7, v4  }
0x129: {  	(xrf0) =	vadd.scan.msk.s32 $0xffff, v52;
	s2 =	spop (v2sf)  }
0x12a: {  	(xrf0) =	vadd.scan.msk.s32 $0xffff, v53;
	s25 =	spop (v2sf)  }
0x12b: {  	s3 =	simm.s32 $0xE0;
	s5 =	ssub.s32 $0xE0, s25  }
0x12c: {  	v54 =	vor.u32 s3, v0;
	s5 =	sadd.s32 $0xF, s5  }
0x12d: {  	s16 =	simm.s32 $0xFFFFFFFF;
	s4 =	simm.s32 $0xD0;
	v55, _, _ =	vpop (xrf0);
	(xrf0) =	vadd.scan.msk.s32 $0xffff, v8;
	s21 =	sadd.s32 s20, s2;
	vm12 =	vgt.s32 v54, s5  }
0x12e: {  	p0 =	por $0x1, $0x1;
	s30 =	simm.s32 $0xB0;
	p1 =	sge.s32 s19, s14;
	v56, _, _ =	vpop (xrf0);
	v13 =	vadd.s32 s21, v55;
	v9 =	vnsel vm12, $0x0, v9  }
0x12f: {  	s31 =	simm.s32 $0xA0;
	p0 =	por !p0, !p1;
	v57, _, _ =	vpop (xrf0);
	(v2sf) =	vpush v56, $0xF;
	vm13 =	vge.s32 v13, v6;
	(xrf0) =	vadd.scan.msk.s32 $0xffff, v9;
	s26 =	spop (v2sf)  }
0x130: {  	s28 =	simm.s32 $0x0;
	p0 =	por !p0, !p0;
	v15, _, _ =	vpop (xrf0);
	v14 =	vmctz.xlane vm13;
	s22 =	sadd.s32 s21, s26  }
0x131: {  	s0 =	sxor.u32 $0x80000000, s0;
	s3 =	simm.s32 $0x50;
	s16 =	smov.u32 @p0 s1;
	v58 =	vadd.s32 s22, v15  }
0x132: {  	[dreg:$0x8] =	wrdreg s0;
	p2 =	sge.s32 s20, s14;
	p5 =	slt.s32 s16, $0x0;
	(v2sf) =	vpush v14, $0x0;
	vm14 =	vge.s32 v58, v6  }
0x133: {  	s0 =	simm.s32 $0xC0;
	p1 =	por !p5, !p2;
	s2 =	simm.s32 $0x2190;
	v60, _, _ =	vpop (xrf0);
	(v2sf) =	vpush v57, $0xF;
	v61 =	vmctz.xlane vm14  }
0x134: {  	s23 =	simm.s32 $0x70;
	p0 =	por p0, p0;
	p2 =	por !p1, !p1;
	v9 =	vld [tilespmem:s2+$0x0];
	(v2sf) =	vpush v60, $0xF  }
0x135: {  	s24 =	simm.s32 $0x90;
	s16 =	smov.u32 @p2 s5;
	s29 =	spop (v2sf);
	v63, _, _ =	vpop (xrf0);
	(v2sf) =	vpush v61, $0x0  }
0x136: {  	v59 =	vperm.xlane v8, v4;
	p3 =	sge.s32 s21, s14;
	p6 =	slt.s32 s16, $0x0;
	s1 =	ssub.s32 $0xD0, s29;
	(v2sf) =	vpush v63, $0xF  }
0x137: {  	v62 =	vor.u32 s4, v0;
	p1 =	por p0, p0;
	p3 =	por !p6, !p3;
	s1 =	sadd.s32 $0xF, s1  }
0x138: {  	p0 =	por p2, p2;
	s25 =	simm.s32 $0x80;
	(xrf0) =	vadd.scan.msk.s32 $0xffff, v59;
	p2 =	por !p3, !p3;
	vm15 =	vgt.s32 v62, s1  }
0x139: {  	s26 =	simm.s32 $0x60;
	s16 =	smov.u32 @p2 s1;
	s1 =	smov.u32 s22;
	(xrf0) =	vadd.scan.msk.s32 $0xffff, v9;
	v11 =	vnsel vm15, $0x0, v11  }
.LBB2_12:
0x13a: {  	p3 =	sne.s32 s3, $0x0  }
0x13b: {  	s2 =	sadd.s32 $0xFFFFFFF0, s2;
	s4 =	smov.u32 s20;
	s20 =	smov.u32 s21  }
0x13c: {  	s21 =	smov.u32 s22;
	s5 =	smov.u32 s0;
	p4 =	por p1, p1  }
0x13d: {  	(xrf0) =	vadd.scan.msk.s32 $0xffff, v11;
	v12 =	vmov v9;
	p1 =	por p0, p0;
	p0 =	por p2, p2;
	s0 =	smov.u32 s30  }
0x13e: {  	s30 =	smov.u32 s31;
	s31 =	smov.u32 s24;
	v9 =	vld [tilespmem:s2+$0x0];
	s6 =	spop (v2sf)  }
0x13f: {  	s24 =	smov.u32 s25;
	s25 =	smov.u32 s23;
	v11, _, _ =	vpop (xrf0);
	s22 =	sadd.s32 s22, s6  }
0x140: {  	s23 =	smov.u32 s26;
	s26 =	smov.u32 s3;
	p2 =	slt.s32 s16, $0x0;
	v13 =	vperm.xlane v12, v4;
	v14, _, _ =	vpop (xrf0);
	v11 =	vadd.s32 s22, v11  }
.Ltmp9:
0x141: {  	p5 =	sge.s32 s1, s14;
	(v2sf) =	vpush v14, $0xF;
	vm0 =	vge.s32 v11, v6;
	s1 =	spop (v2sf);
	(pc) =	sbr.rel @p3 .LBB2_12-.Ltmp9, $4  }
0x142: {  	p2 =	por !p2, !p5;
	(xrf0) =	vadd.scan.msk.s32 $0xffff, v13;
	v11 =	vmctz.xlane vm0;
	s1 =	ssub.s32 s5, s1;
	s6 =	spop (v2sf)  }
0x143: {  	p2 =	por !p2, !p2;
	v13 =	vor.u32 s5, v0;
	(xrf0) =	vadd.scan.msk.s32 $0xffff, v9;
	s1 =	sadd.s32 $0xF, s1;
	v14, _, _ =	vpop (xrf0);
	s5 =	sadd.s32 s28, s6  }
0x144: {  	(v2sf) =	vpush v11, $0x0;
	vm0 =	vgt.s32 v13, s1;
	s16 =	smov.u32 @p2 s1;
	s17 =	smov.u32 @p4 s5;
	s1 =	smov.u32 s22  }
0x145: {  	s3 =	sadd.s32 $0xFFFFFFF0, s3;
	s28 =	smov.u32 s19;
	s19 =	smov.u32 s4;
	v11 =	vnsel vm0, $0x0, v10;
	(v2sf) =	vpush v14, $0xF;
	v10 =	vmovc v7;
	v7 =	vmovc v8;
	v8 =	vmov v12  }
0x146: {  	_ = 	snop  }
0x147: {  	s3 =	spop (v2sf)  }
0x148: {  	s2 =	sadd.s32 $0xFFFFFFF0, s2;
	s29 =	sadd.s32 s22, s3;
	v12, _, _ =	vpop (xrf0)  }
0x149: {  	v14 =	vperm.xlane v9, v4;
	v13 =	vld [tilespmem:s2+$0x0];
	v12 =	vadd.s32 s29, v12  }
0x14a: {  	s11 =	spop (v2sf);
	(xrf0) =	vadd.scan.msk.s32 $0xffff, v11;
	vm0 =	vge.s32 v12, v6  }
0x14b: {  	s2 =	sadd.s32 $0xFFFFFFF0, s2;
	s3 =	ssub.s32 s0, s11;
	v47, _, _ =	vpop (xrf0);
	(xrf0) =	vadd.scan.msk.s32 $0xffff, v14;
	v12 =	vmctz.xlane vm0  }
0x14c: {  	v48 =	vor.u32 s0, v0;
	v49 =	vld [tilespmem:s2+$0x0];
	s8 =	sadd.s32 $0xF, s3;
	(v2sf) =	vpush v47, $0xF  }
0x14d: {  	vm5 =	vgt.s32 v48, s8;
	(v2sf) =	vpush v12, $0x0  }
0x14e: {  	v10 =	vnsel vm5, $0x0, v10;
	(xrf0) =	vadd.scan.msk.s32 $0xffff, v13;
	v50 =	vperm.xlane v13, v4  }
0x14f: {  	s5 =	spop (v2sf);
	(xrf0) =	vadd.scan.msk.s32 $0xffff, v10  }
0x150: {  	v51, _, _ =	vpop (xrf0);
	(xrf0) =	vadd.scan.msk.s32 $0xffff, v50;
	s12 =	spop (v2sf)  }
0x151: {  	v52, _, _ =	vpop (xrf0);
	(xrf0) =	vadd.scan.msk.s32 $0xffff, v49;
	s0 =	sadd.s32 s29, s12  }
0x152: {  	v11 =	vadd.s32 s0, v52  }
0x153: {  	vm6 =	vge.s32 v11, v6  }
0x154: {  	(v2sf) =	vpush v51, $0xF;
	v53, _, _ =	vpop (xrf0);
	v11 =	vmctz.xlane vm6  }
0x155: {  	(v2sf) =	vpush v53, $0xF;
	v54, _, _ =	vpop (xrf0)  }
0x156: {  	v55, _, _ =	vpop (xrf0);
	(v2sf) =	vpush v11, $0x0  }
0x157: {  	v56, _, _ =	vpop (xrf0);
	(v2sf) =	vpush v54, $0xF  }
0x158: {  	(v2sf) =	vpush v56, $0xF  }
0x159: {  	s15 =	spop (v2sf)  }
0x15a: {  	s2 =	sadd.s32 $0xFFFFFFF0, s2;
	s6 =	spop (v2sf);
	s3 =	ssub.s32 s30, s15  }
0x15b: {  	v57 =	vor.u32 s30, v0;
	v58 =	vld [tilespmem:s2+$0x0];
	s11 =	sadd.s32 $0xF, s3;
	s4 =	spop (v2sf)  }
0x15c: {  	vm7 =	vgt.s32 v57, s11;
	s3 =	spop (v2sf)  }
0x15d: {  	v59 =	vperm.xlane v49, v4;
	v7 =	vnsel vm7, $0x0, v7;
	s2 =	ssub.s32 s31, s3  }
0x15e: {  	(xrf0) =	vadd.scan.msk.s32 $0xffff, v7;
	v7 =	vor.u32 s31, v0;
	s12 =	sadd.s32 $0xF, s2  }
0x15f: {  	(xrf0) =	vadd.scan.msk.s32 $0xffff, v59;
	vm8 =	vgt.s32 v7, s12  }
0x160: {  	v60 =	vperm.xlane v58, v4;
	(xrf0) =	vadd.scan.msk.s32 $0xffff, v58;
	v7 =	vnsel vm8, $0x0, v8  }
0x161: {  	(xrf0) =	vadd.scan.msk.s32 $0xffff, v7  }
0x162: {  	(xrf0) =	vadd.scan.msk.s32 $0xffff, v60  }
0x163: {  	s30 =	sadd.s32 s0, s4;
	s3 =	spop (v2sf)  }
0x164: {  	v61 =	vadd.s32 s30, v55;
	s7 =	spop (v2sf);
	v7, _, _ =	vpop (xrf0)  }
0x165: {  	vm9 =	vge.s32 v61, v6;
	v10, _, _ =	vpop (xrf0);
	s9 =	spop (v2sf)  }
0x166: {  	v8 =	vmctz.xlane vm9;
	s31 =	sadd.s32 s30, s7;
	v62, _, _ =	vpop (xrf0);
	s7 =	spop (v2sf)  }
0x167: {  	v10 =	vadd.s32 s31, v10;
	v15, _, _ =	vpop (xrf0);
	s15 =	spop (v2sf)  }
0x168: {  	(v2sf) =	vpush v8, $0x0;
	vm10 =	vge.s32 v10, v6;
	v63, _, _ =	vpop (xrf0);
	s2 =	sadd.s32 s31, s15  }
0x169: {  	(v2sf) =	vpush v7, $0xF;
	v7 =	vmctz.xlane vm10;
	v8 =	vadd.s32 s2, v63  }
0x16a: {  	(v2sf) =	vpush v62, $0xF;
	vm11 =	vge.s32 v8, v6  }
0x16b: {  	(v2sf) =	vpush v7, $0x0;
	v6 =	vmctz.xlane vm11  }
0x16c: {  	(v2sf) =	vpush v15, $0xF  }
0x16d: {  	(v2sf) =	vpush v6, $0x0;
	_ =	sdelay $0x8  }
0x16e: {  	p3 =	slt.s32 s16, $0x0;
	p4 =	sge.s32 s1, s14;
	s4 =	ssub.s32 s24, s9  }
0x16f: {  	p3 =	por !p3, !p4;
	s15 =	sadd.s32 $0xF, s4;
	v6 =	vor.u32 s24, v0;
	s9 =	spop (v2sf)  }
0x170: {  	p3 =	por !p3, !p3;
	vm12 =	vgt.s32 v6, s15;
	s4 =	spop (v2sf)  }
0x171: {  	s16 =	smov.u32 @p3 s8;
	v6 =	vnsel vm12, $0x0, v9;
	s9 =	ssub.s32 s25, s9;
	s8 =	spop (v2sf)  }
0x172: {  	(xrf0) =	vadd.scan.msk.s32 $0xffff, v6;
	v6 =	vor.u32 s25, v0;
	s9 =	sadd.s32 $0xF, s9;
	s24 =	spop (v2sf)  }
0x173: {  	vm13 =	vgt.s32 v6, s9;
	s25 =	ssub.s32 s23, s24;
	s24 =	spop (v2sf)  }
0x174: {  	p5 =	sge.s32 s29, s14;
	v6 =	vor.u32 s23, v0;
	v7 =	vnsel vm13, $0x0, v13;
	s23 =	spop (v2sf)  }
0x175: {  	p6 =	slt.s32 s16, $0x0;
	(xrf0) =	vadd.scan.msk.s32 $0xffff, v7;
	s25 =	sadd.s32 $0xF, s25;
	s1 =	ssub.s32 s26, s23  }
0x176: {  	p4 =	por !p6, !p5;
	vm14 =	vgt.s32 v6, s25;
	v6 =	vor.u32 s26, v0;
	s1 =	sadd.s32 $0xF, s1  }
0x177: {  	p1 =	por p1, p1;
	s5 =	sadd.s32 s28, s5;
	p4 =	por !p4, !p4;
	v7 =	vnsel vm14, $0x0, v49;
	vm15 =	vgt.s32 v6, s1  }
0x178: {  	p0 =	por p0, p0;
	s17 =	smov.u32 @p1 s5;
	s16 =	smov.u32 @p4 s11;
	v6 =	vnsel vm15, $0x0, v58  }
0x179: {  	p1 =	por p2, p2;
	p6 =	sge.s32 s0, s14;
	p5 =	slt.s32 s16, $0x0;
	(xrf0) =	vadd.scan.msk.s32 $0xffff, v7  }
0x17a: {  	p3 =	por p3, p3;
	p1 =	por p1, p1;
	p6 =	por !p5, !p6;
	v7, _, _ =	vpop (xrf0);
	(xrf0) =	vadd.scan.msk.s32 $0xffff, v6  }
0x17b: {  	p3 =	por p3, p3;
	p5 =	por p0, p0;
	p0 =	por !p6, !p6;
	(v2sf) =	vpush v7, $0xF;
	v6, _, _ =	vpop (xrf0)  }
0x17c: {  	p1 =	por p1, p1;
	s5 =	sadd.s32 s19, s6;
	s16 =	smov.u32 @p0 s12;
	(v2sf) =	vpush v6, $0xF  }
0x17d: {  	s17 =	smov.u32 @p5 s5;
	p6 =	sge.s32 s30, s14;
	p5 =	slt.s32 s16, $0x0  }
0x17e: {  	p3 =	por p3, p3;
	s3 =	sadd.s32 s20, s3;
	p2 =	por !p5, !p6  }
0x17f: {  	p4 =	por p4, p4;
	s17 =	smov.u32 @p1 s3;
	p1 =	por !p2, !p2;
	v6, _, _ =	vpop (xrf0)  }
0x180: {  	p4 =	por p4, p4;
	p0 =	por p0, p0;
	s16 =	smov.u32 @p1 s15;
	(v2sf) =	vpush v6, $0xF;
	v6, _, _ =	vpop (xrf0)  }
0x181: {  	p6 =	sge.s32 s31, s14;
	s3 =	sadd.s32 s21, s7;
	p5 =	slt.s32 s16, $0x0;
	(v2sf) =	vpush v6, $0xF  }
0x182: {  	p0 =	por p0, p0;
	s17 =	smov.u32 @p3 s3;
	p3 =	por !p5, !p6  }
0x183: {  	p0 =	por p0, p0;
	p1 =	por p1, p1;
	p3 =	por !p3, !p3  }
0x184: {  	p2 =	por p4, p4;
	p1 =	por p1, p1;
	s16 =	smov.u32 @p3 s9  }
0x185: {  	p6 =	sge.s32 s2, s14;
	s3 =	sadd.s32 s22, s4;
	p5 =	slt.s32 s16, $0x0  }
0x186: {  	p1 =	por p1, p1;
	s17 =	smov.u32 @p2 s3;
	p2 =	por !p5, !p6  }
0x187: {  	p3 =	por p3, p3;
	p2 =	por !p2, !p2;
	s4 =	sadd.s32 s29, s24  }
0x188: {  	p3 =	por p3, p3;
	s16 =	smov.u32 @p2 s25;
	s17 =	smov.u32 @p0 s4  }
0x189: {  	p2 =	por p2, p2;
	p5 =	slt.s32 s16, $0x0;
	s26 =	sadd.s32 s2, s8  }
0x18a: {  	p2 =	por p2, p2;
	p6 =	sge.s32 s26, s14;
	s28 =	spop (v2sf)  }
0x18b: {  	p0 =	por !p5, !p6;
	s0 =	sadd.s32 s0, s28;
	s29 =	spop (v2sf)  }
0x18c: {  	s17 =	smov.u32 @p1 s0;
	p1 =	por p3, p3;
	s0 =	sadd.s32 s30, s29  }
0x18d: {  	s17 =	smov.u32 @p1 s0;
	p1 =	por p2, p2;
	p2 =	slt.s32 s18, $0x1  }
.Ltmp10:
0x18e: {  	p0 =	por !p0, !p0;
	(pc) =	sbr.rel @p2 .LBB2_14-.Ltmp10, $4  }
0x18f: {  	p5 =	por p0, p0;
	s30 =	spop (v2sf)  }
0x190: {  	p6 =	por p5, p5;
	s0 =	sadd.s32 s31, s30;
	s31 =	spop (v2sf)  }
0x191: {  	s17 =	smov.u32 @p1 s0;
	p1 =	por p6, p6;
	s0 =	sadd.s32 s2, s31  }
0x192: {  	s16 =	smov.u32 @p0 s1;
	s17 =	smov.u32 @p1 s0  }
0x193: {  	p1 =	sne.s32 s18, $0x1  }
.Ltmp11:
0x194: {  	_ = 	snop;
	(pc) =	sbr.rel @!p1 .LBB2_19-.Ltmp11, $3  }
0x195: {  	_ =	sdelay $0x1  }
0x196: {  	s1 =	simm.s32 $0x1000  }
0x197: {  	v6 =	vmov s16;
	s0 =	simm.s32 $0x0;
	p0 =	por $0x0, $0x0;
	v7 =	vld [tilespmem:s1+$0x0];
	s1 =	sadd.s32 $0xFFFFFFFF, s18  }
0x198: {  	_ =	sdelay $0x3  }
0x199: {  	v8 =	vshrl.u32 v7, $0x10  }
0x19a: {  	v8 =	vand.u32 $0xFF, v8  }
0x19b: {  	vm0 =	veq.s32 v8, v6  }
0x19c: {  	v8 =	vmpcnt.ones.xlane vm0;
	_ =	sdelay $0x1  }
0x19d: {  	(v2sf) =	vpush v8, $0x0  }
0x19e: {  	p1 =	sne.s32 s1, $0x1  }
.Ltmp12:
0x19f: {  	_ = 	snop;
	(pc) =	sbr.rel @!p1 .LBB2_21-.Ltmp12, $3  }
0x1a0: {  	_ =	sdelay $0x1  }
0x1a1: {  	s2 =	simm.s32 $0x1010;
	[tilespmem:s0+$0x1880] =	vst.msk vm0, v7  }
0x1a2: {  	s3 =	sadd.s32 $0xFFFFFFFF, s1;
	p0 =	por $0x1, $0x1;
	s1 =	simm.s32 $0x0;
	v7 =	vld [tilespmem:s2+$0x0]  }
.LBB2_22:
0x1a3: {  	p1 =	sne.s32 s3, $0x1;
	_ =	sdelay $0x3  }
0x1a4: {  	v8 =	vshrl.u32 v7, $0x10  }
0x1a5: {  	v8 =	vand.u32 $0xFF, v8  }
0x1a6: {  	vm0 =	veq.s32 v8, v6  }
0x1a7: {  	v8 =	vmpcnt.ones.xlane vm0  }
0x1a8: {  	s4 =	spop (v2sf)  }
0x1a9: {  	(v2sf) =	vpush v8, $0x0;
	s1 =	sadd.s32 s1, s4  }
0x1aa: {  	[tilespmem:s1+$0x1880] =	vst.msk vm0, v7  }
.Ltmp13:
0x1ab: {  	(pc) =	sbr.rel @p1 .LBB2_22-.Ltmp13, $3  }
0x1ac: {  	_ =	sdelay $0x1  }
0x1ad: {  	s2 =	sadd.s32 $0x10, s2  }
0x1ae: {  	s3 =	sadd.s32 $0xFFFFFFFF, s3;
	v7 =	vld [tilespmem:s2+$0x0]  }
.LBB2_23:
0x1af: {  	_ =	sdelay $0x3  }
0x1b0: {  	v8 =	vshrl.u32 v7, $0x10  }
0x1b1: {  	v8 =	vand.u32 $0xFF, v8  }
0x1b2: {  	vm0 =	veq.s32 v8, v6  }
0x1b3: {  	v6 =	vmpcnt.ones.xlane vm0;
	_ =	sdelay $0x1  }
0x1b4: {  	(v2sf) =	vpush v6, $0x0;
	_ =	sdelay $0xb  }
.Ltmp14:
0x1b5: {  	_ = 	snop;
	(pc) =	sbr.rel .LBB2_24-.Ltmp14, $4  }
0x1b6: {  	s2 =	spop @p0 (v2sf)  }
0x1b7: {  	s1 =	sadd.s32 @p0 s1, s2  }
0x1b8: {  	s0 =	smov.u32 @p0 s1;
	s31 =	spop (v2sf)  }
0x1b9: {  	[tilespmem:s0+$0x1880] =	vst.msk vm0, v7;
	s0 =	sadd.s32 s0, s31  }
.LBB2_14:
0x1ba: {  	s0 =	simm.s32 $0x0  }
.LBB2_24:
0x1bb: {  	[tilespmem:s0+$0x1880] =	vst v5  }
0x1bc: {  	[tilespmem:$0x2100] =	vst v1  }
0x1bd: {  	[tilespmem:$0x2110] =	vst v1  }
0x1be: {  	[tilespmem:$0x2120] =	vst v1  }
0x1bf: {  	[tilespmem:$0x2130] =	vst v1  }
0x1c0: {  	[tilespmem:$0x2140] =	vst v1  }
0x1c1: {  	[tilespmem:$0x2150] =	vst v1  }
0x1c2: {  	[tilespmem:$0x2160] =	vst v1  }
0x1c3: {  	[tilespmem:$0x2170] =	vst v1  }
0x1c4: {  	s31 =	sadd.s32 $0xF, s0;
	[tilespmem:$0x2180] =	vst v1  }
0x1c5: {  	[tilespmem:$0x2190] =	vst v1;
	s18 =	sshra.s32 s31, $0x4  }
0x1c6: {  	[tilespmem:$0x21A0] =	vst v1;
	p0 =	sgt.s32 s18, $0x0  }
.Ltmp15:
0x1c7: {  	[tilespmem:$0x21B0] =	vst v1;
	(pc) =	sbr.rel @!p0 .LBB2_25-.Ltmp15, $4  }
0x1c8: {  	[tilespmem:$0x21C0] =	vst v1  }
0x1c9: {  	[tilespmem:$0x21D0] =	vst v1  }
0x1ca: {  	[tilespmem:$0x21E0] =	vst v1  }
0x1cb: {  	s0 =	simm.s32 $0x1880;
	[tilespmem:$0x21F0] =	vst v1  }
0x1cc: {  	p0 =	seq.s32 s18, $0x1  }
.Ltmp16:
0x1cd: {  	_ = 	snop;
	(pc) =	sbr.rel @p0 .LBB2_31-.Ltmp16, $2  }
0x1ce: {  	_ =	sdelay $0x2  }
0x1cf: {  	v6 =	vld [tilespmem:s0+$0x0];
	s1 =	sadd.s32 $0xFFFFFFFF, s18  }
.LBB2_30:
0x1d0: {  	p0 =	seq.s32 s1, $0x1;
	_ =	sdelay $0x3  }
0x1d1: {  	v6 =	vshrl.u32 v6, $0x8  }
0x1d2: {  	v6 =	vand.u32 $0xFF, v6;
	_ =	sdelay $0x1  }
.Ltmp17:
0x1d3: {  	(pc) =	sbr.rel @!p0 .LBB2_30-.Ltmp17, $3  }
0x1d4: {  	_ =	sdelay $0x1  }
0x1d5: {  	s0 =	sadd.s32 $0x10, s0;
	[tilespmem:v6+s10+$0x0] =	vst.idx.add.s32.msk $0xffff, v3  }
0x1d6: {  	s1 =	sadd.s32 $0xFFFFFFFF, s1;
	v6 =	vld [tilespmem:s0+$0x0]  }
.LBB2_31:
0x1d7: {  	_ =	sdelay $0x3  }
0x1d8: {  	v6 =	vshrl.u32 v6, $0x8  }
0x1d9: {  	v6 =	vand.u32 $0xFF, v6;
	_ =	sdelay $0x4  }
0x1da: {  	[tilespmem:v6+s10+$0x0] =	vst.idx.add.s32.msk $0xffff, v3  }
.LBB2_25:
0x1db: {  	s11 =	simm.s32 $0x21F0  }
0x1dc: {  	v8 =	vld [tilespmem:s11+$0x0];
	_ =	sdelay $0x4  }
0x1dd: {  	(xrf0) =	vadd.scan.msk.s32 $0xffff, v8;
	_ =	sdelay $0x5  }
0x1de: {  	s12 =	simm.s32 $0x21E0;
	v10, _, _ =	vpop (xrf0)  }
0x1df: {  	v9 =	vld [tilespmem:s12+$0x0];
	(v2sf) =	vpush v10, $0xF  }
0x1e0: {  	v7 =	vperm.xlane v8, v4;
	_ =	sdelay $0x1  }
0x1e1: {  	(xrf0) =	vadd.scan.msk.s32 $0xffff, v7;
	_ =	sdelay $0x1  }
0x1e2: {  	(xrf0) =	vadd.scan.msk.s32 $0xffff, v9;
	_ =	sdelay $0x2  }
0x1e3: {  	s15 =	simm.s32 $0x21D0;
	v12 =	vperm.xlane v9, v4  }
0x1e4: {  	s14 =	ssub.s32 s14, s17;
	s17 =	simm.s32 $0x0;
	v11 =	vld [tilespmem:s15+$0x0];
	v7, _, _ =	vpop (xrf0)  }
0x1e5: {  	v6 =	vmov s14;
	(xrf0) =	vadd.scan.msk.s32 $0xffff, v12;
	v7 =	vadd.s32 s17, v7  }
0x1e6: {  	v10, _, _ =	vpop (xrf0);
	vm0 =	vge.s32 v7, v6  }
0x1e7: {  	(v2sf) =	vpush v10, $0xF;
	v7 =	vmctz.xlane vm0;
	_ =	sdelay $0x1  }
0x1e8: {  	s19 =	simm.s32 $0x21C0;
	(xrf0) =	vadd.scan.msk.s32 $0xffff, v11  }
0x1e9: {  	v10 =	vld [tilespmem:s19+$0x0];
	s20 =	spop (v2sf)  }
0x1ea: {  	(v2sf) =	vpush v7, $0x0;
	v7, _, _ =	vpop (xrf0);
	s19 =	sadd.s32 $0x0, s20  }
0x1eb: {  	v47 =	vperm.xlane v11, v4;
	v7 =	vadd.s32 s19, v7;
	_ =	sdelay $0x1  }
0x1ec: {  	(xrf0) =	vadd.scan.msk.s32 $0xffff, v47;
	vm9 =	vge.s32 v7, v6  }
0x1ed: {  	v48 =	vmctz.xlane vm9;
	v7, _, _ =	vpop (xrf0);
	(xrf0) =	vadd.scan.msk.s32 $0xffff, v10  }
0x1ee: {  	(v2sf) =	vpush v7, $0xF  }
0x1ef: {  	(v2sf) =	vpush v48, $0x0;
	_ =	sdelay $0x2  }
0x1f0: {  	v7, _, _ =	vpop (xrf0)  }
0x1f1: {  	v49, _, _ =	vpop (xrf0)  }
0x1f2: {  	s21 =	spop (v2sf);
	(v2sf) =	vpush v49, $0xF  }
0x1f3: {  	s20 =	sadd.s32 s19, s21  }
0x1f4: {  	s22 =	simm.s32 $0x21B0;
	v7 =	vadd.s32 s20, v7  }
0x1f5: {  	vm10 =	vge.s32 v7, v6;
	v7 =	vld [tilespmem:s22+$0x0]  }
0x1f6: {  	s0 =	sshll.u32 s16, $0x10;
	s1 =	rddreg [dreg:$0x8];
	s23 =	spop (v2sf);
	v50 =	vmctz.xlane vm10  }
0x1f7: {  	s9 =	simm.s32 $0xF0;
	s0 =	sor.u32 s1, s0;
	v51 =	vperm.xlane v10, v4;
	s1 =	ssub.s32 $0xF0, s23  }
0x1f8: {  	v13 =	vor.u32 s9, v0;
	s1 =	sadd.s32 $0xF, s1;
	(v2sf) =	vpush v50, $0x0  }
0x1f9: {  	s24 =	simm.s32 $0x21A0;
	(xrf0) =	vadd.scan.msk.s32 $0xffff, v51;
	vm11 =	vgt.s32 v13, s1  }
0x1fa: {  	v52 =	vnsel vm11, $0x0, v8;
	v8 =	vld [tilespmem:s24+$0x0];
	(xrf0) =	vadd.scan.msk.s32 $0xffff, v7;
	v53 =	vperm.xlane v7, v4  }
0x1fb: {  	(xrf0) =	vadd.scan.msk.s32 $0xffff, v52;
	s2 =	spop (v2sf)  }
0x1fc: {  	(xrf0) =	vadd.scan.msk.s32 $0xffff, v53;
	s25 =	spop (v2sf)  }
0x1fd: {  	s3 =	simm.s32 $0xE0;
	s5 =	ssub.s32 $0xE0, s25  }
0x1fe: {  	v54 =	vor.u32 s3, v0;
	s5 =	sadd.s32 $0xF, s5  }
0x1ff: {  	s16 =	simm.s32 $0xFFFFFFFF;
	v55, _, _ =	vpop (xrf0);
	(xrf0) =	vadd.scan.msk.s32 $0xffff, v8;
	s21 =	sadd.s32 s20, s2;
	vm12 =	vgt.s32 v54, s5  }
0x200: {  	s4 =	simm.s32 $0xD0;
	p0 =	por $0x1, $0x1;
	p1 =	sge.s32 s19, s14;
	v56, _, _ =	vpop (xrf0);
	v13 =	vadd.s32 s21, v55;
	v9 =	vnsel vm12, $0x0, v9  }
0x201: {  	s30 =	simm.s32 $0xB0;
	p0 =	por !p0, !p1;
	v57, _, _ =	vpop (xrf0);
	(v2sf) =	vpush v56, $0xF;
	vm13 =	vge.s32 v13, v6;
	(xrf0) =	vadd.scan.msk.s32 $0xffff, v9;
	s26 =	spop (v2sf)  }
0x202: {  	s31 =	simm.s32 $0xA0;
	p0 =	por !p0, !p0;
	v15, _, _ =	vpop (xrf0);
	v14 =	vmctz.xlane vm13;
	s22 =	sadd.s32 s21, s26  }
0x203: {  	s28 =	simm.s32 $0x0;
	s3 =	simm.s32 $0x50;
	s16 =	smov.u32 @p0 s1;
	v58 =	vadd.s32 s22, v15  }
0x204: {  	[dreg:$0x9] =	wrdreg s0;
	p2 =	sge.s32 s20, s14;
	p5 =	slt.s32 s16, $0x0;
	(v2sf) =	vpush v14, $0x0;
	vm14 =	vge.s32 v58, v6  }
0x205: {  	s0 =	simm.s32 $0xC0;
	p1 =	por !p5, !p2;
	s2 =	simm.s32 $0x2190;
	v60, _, _ =	vpop (xrf0);
	(v2sf) =	vpush v57, $0xF;
	v61 =	vmctz.xlane vm14  }
0x206: {  	s23 =	simm.s32 $0x70;
	p0 =	por p0, p0;
	p2 =	por !p1, !p1;
	v9 =	vld [tilespmem:s2+$0x0];
	(v2sf) =	vpush v60, $0xF  }
0x207: {  	s24 =	simm.s32 $0x90;
	s16 =	smov.u32 @p2 s5;
	s29 =	spop (v2sf);
	v63, _, _ =	vpop (xrf0);
	(v2sf) =	vpush v61, $0x0  }
0x208: {  	v59 =	vperm.xlane v8, v4;
	p3 =	sge.s32 s21, s14;
	p6 =	slt.s32 s16, $0x0;
	s1 =	ssub.s32 $0xD0, s29;
	(v2sf) =	vpush v63, $0xF  }
0x209: {  	v62 =	vor.u32 s4, v0;
	p1 =	por p0, p0;
	p3 =	por !p6, !p3;
	s1 =	sadd.s32 $0xF, s1  }
0x20a: {  	p0 =	por p2, p2;
	s25 =	simm.s32 $0x80;
	(xrf0) =	vadd.scan.msk.s32 $0xffff, v59;
	p2 =	por !p3, !p3;
	vm15 =	vgt.s32 v62, s1  }
0x20b: {  	s26 =	simm.s32 $0x60;
	s16 =	smov.u32 @p2 s1;
	s1 =	smov.u32 s22;
	(xrf0) =	vadd.scan.msk.s32 $0xffff, v9;
	v11 =	vnsel vm15, $0x0, v11  }
.LBB2_26:
0x20c: {  	p3 =	sne.s32 s3, $0x0  }
0x20d: {  	s2 =	sadd.s32 $0xFFFFFFF0, s2;
	s4 =	smov.u32 s20;
	s20 =	smov.u32 s21  }
0x20e: {  	s21 =	smov.u32 s22;
	s5 =	smov.u32 s0;
	p4 =	por p1, p1  }
0x20f: {  	(xrf0) =	vadd.scan.msk.s32 $0xffff, v11;
	v12 =	vmov v9;
	p1 =	por p0, p0;
	p0 =	por p2, p2;
	s0 =	smov.u32 s30  }
0x210: {  	s30 =	smov.u32 s31;
	s31 =	smov.u32 s24;
	v9 =	vld [tilespmem:s2+$0x0];
	s6 =	spop (v2sf)  }
0x211: {  	s24 =	smov.u32 s25;
	s25 =	smov.u32 s23;
	v11, _, _ =	vpop (xrf0);
	s22 =	sadd.s32 s22, s6  }
0x212: {  	s23 =	smov.u32 s26;
	s26 =	smov.u32 s3;
	p2 =	slt.s32 s16, $0x0;
	v13 =	vperm.xlane v12, v4;
	v14, _, _ =	vpop (xrf0);
	v11 =	vadd.s32 s22, v11  }
.Ltmp18:
0x213: {  	p5 =	sge.s32 s1, s14;
	(v2sf) =	vpush v14, $0xF;
	vm0 =	vge.s32 v11, v6;
	s1 =	spop (v2sf);
	(pc) =	sbr.rel @p3 .LBB2_26-.Ltmp18, $4  }
0x214: {  	p2 =	por !p2, !p5;
	(xrf0) =	vadd.scan.msk.s32 $0xffff, v13;
	v11 =	vmctz.xlane vm0;
	s1 =	ssub.s32 s5, s1;
	s6 =	spop (v2sf)  }
0x215: {  	p2 =	por !p2, !p2;
	v13 =	vor.u32 s5, v0;
	(xrf0) =	vadd.scan.msk.s32 $0xffff, v9;
	s1 =	sadd.s32 $0xF, s1;
	v14, _, _ =	vpop (xrf0);
	s5 =	sadd.s32 s28, s6  }
0x216: {  	(v2sf) =	vpush v11, $0x0;
	vm0 =	vgt.s32 v13, s1;
	s16 =	smov.u32 @p2 s1;
	s17 =	smov.u32 @p4 s5;
	s1 =	smov.u32 s22  }
0x217: {  	s3 =	sadd.s32 $0xFFFFFFF0, s3;
	s28 =	smov.u32 s19;
	s19 =	smov.u32 s4;
	v11 =	vnsel vm0, $0x0, v10;
	(v2sf) =	vpush v14, $0xF;
	v10 =	vmovc v7;
	v7 =	vmovc v8;
	v8 =	vmov v12  }
0x218: {  	_ = 	snop  }
0x219: {  	s3 =	spop (v2sf)  }
0x21a: {  	s2 =	sadd.s32 $0xFFFFFFF0, s2;
	s29 =	sadd.s32 s22, s3;
	v12, _, _ =	vpop (xrf0)  }
0x21b: {  	v14 =	vperm.xlane v9, v4;
	v13 =	vld [tilespmem:s2+$0x0];
	v12 =	vadd.s32 s29, v12  }
0x21c: {  	s11 =	spop (v2sf);
	(xrf0) =	vadd.scan.msk.s32 $0xffff, v11;
	vm0 =	vge.s32 v12, v6  }
0x21d: {  	s2 =	sadd.s32 $0xFFFFFFF0, s2;
	s3 =	ssub.s32 s0, s11;
	v47, _, _ =	vpop (xrf0);
	(xrf0) =	vadd.scan.msk.s32 $0xffff, v14;
	v12 =	vmctz.xlane vm0  }
0x21e: {  	v48 =	vor.u32 s0, v0;
	v49 =	vld [tilespmem:s2+$0x0];
	s8 =	sadd.s32 $0xF, s3;
	(v2sf) =	vpush v47, $0xF  }
0x21f: {  	vm5 =	vgt.s32 v48, s8;
	(v2sf) =	vpush v12, $0x0  }
0x220: {  	v10 =	vnsel vm5, $0x0, v10;
	(xrf0) =	vadd.scan.msk.s32 $0xffff, v13;
	v50 =	vperm.xlane v13, v4  }
0x221: {  	s5 =	spop (v2sf);
	(xrf0) =	vadd.scan.msk.s32 $0xffff, v10  }
0x222: {  	v51, _, _ =	vpop (xrf0);
	(xrf0) =	vadd.scan.msk.s32 $0xffff, v50;
	s12 =	spop (v2sf)  }
0x223: {  	v52, _, _ =	vpop (xrf0);
	(xrf0) =	vadd.scan.msk.s32 $0xffff, v49;
	s0 =	sadd.s32 s29, s12  }
0x224: {  	v11 =	vadd.s32 s0, v52  }
0x225: {  	vm6 =	vge.s32 v11, v6  }
0x226: {  	(v2sf) =	vpush v51, $0xF;
	v53, _, _ =	vpop (xrf0);
	v11 =	vmctz.xlane vm6  }
0x227: {  	(v2sf) =	vpush v53, $0xF;
	v54, _, _ =	vpop (xrf0)  }
0x228: {  	v55, _, _ =	vpop (xrf0);
	(v2sf) =	vpush v11, $0x0  }
0x229: {  	v56, _, _ =	vpop (xrf0);
	(v2sf) =	vpush v54, $0xF  }
0x22a: {  	(v2sf) =	vpush v56, $0xF  }
0x22b: {  	s15 =	spop (v2sf)  }
0x22c: {  	s2 =	sadd.s32 $0xFFFFFFF0, s2;
	s6 =	spop (v2sf);
	s3 =	ssub.s32 s30, s15  }
0x22d: {  	v57 =	vor.u32 s30, v0;
	v58 =	vld [tilespmem:s2+$0x0];
	s11 =	sadd.s32 $0xF, s3;
	s4 =	spop (v2sf)  }
0x22e: {  	vm7 =	vgt.s32 v57, s11;
	s3 =	spop (v2sf)  }
0x22f: {  	v59 =	vperm.xlane v49, v4;
	v7 =	vnsel vm7, $0x0, v7;
	s2 =	ssub.s32 s31, s3  }
0x230: {  	(xrf0) =	vadd.scan.msk.s32 $0xffff, v7;
	v7 =	vor.u32 s31, v0;
	s12 =	sadd.s32 $0xF, s2  }
0x231: {  	(xrf0) =	vadd.scan.msk.s32 $0xffff, v59;
	vm8 =	vgt.s32 v7, s12  }
0x232: {  	v60 =	vperm.xlane v58, v4;
	(xrf0) =	vadd.scan.msk.s32 $0xffff, v58;
	v7 =	vnsel vm8, $0x0, v8  }
0x233: {  	(xrf0) =	vadd.scan.msk.s32 $0xffff, v7  }
0x234: {  	(xrf0) =	vadd.scan.msk.s32 $0xffff, v60  }
0x235: {  	s30 =	sadd.s32 s0, s4;
	s3 =	spop (v2sf)  }
0x236: {  	v61 =	vadd.s32 s30, v55;
	s7 =	spop (v2sf);
	v7, _, _ =	vpop (xrf0)  }
0x237: {  	vm9 =	vge.s32 v61, v6;
	v10, _, _ =	vpop (xrf0);
	s9 =	spop (v2sf)  }
0x238: {  	v8 =	vmctz.xlane vm9;
	s31 =	sadd.s32 s30, s7;
	v62, _, _ =	vpop (xrf0);
	s7 =	spop (v2sf)  }
0x239: {  	v10 =	vadd.s32 s31, v10;
	v15, _, _ =	vpop (xrf0);
	s15 =	spop (v2sf)  }
0x23a: {  	(v2sf) =	vpush v8, $0x0;
	vm10 =	vge.s32 v10, v6;
	v63, _, _ =	vpop (xrf0);
	s2 =	sadd.s32 s31, s15  }
0x23b: {  	(v2sf) =	vpush v7, $0xF;
	v7 =	vmctz.xlane vm10;
	v8 =	vadd.s32 s2, v63  }
0x23c: {  	(v2sf) =	vpush v62, $0xF;
	vm11 =	vge.s32 v8, v6  }
0x23d: {  	(v2sf) =	vpush v7, $0x0;
	v6 =	vmctz.xlane vm11  }
0x23e: {  	(v2sf) =	vpush v15, $0xF  }
0x23f: {  	(v2sf) =	vpush v6, $0x0;
	_ =	sdelay $0x8  }
0x240: {  	p3 =	slt.s32 s16, $0x0;
	p4 =	sge.s32 s1, s14;
	s4 =	ssub.s32 s24, s9  }
0x241: {  	p3 =	por !p3, !p4;
	s15 =	sadd.s32 $0xF, s4;
	v6 =	vor.u32 s24, v0;
	s9 =	spop (v2sf)  }
0x242: {  	p3 =	por !p3, !p3;
	vm12 =	vgt.s32 v6, s15;
	s24 =	spop (v2sf)  }
0x243: {  	s16 =	smov.u32 @p3 s8;
	v6 =	vnsel vm12, $0x0, v9;
	s9 =	ssub.s32 s25, s9;
	s8 =	spop (v2sf)  }
0x244: {  	(xrf0) =	vadd.scan.msk.s32 $0xffff, v6;
	v6 =	vor.u32 s25, v0;
	s9 =	sadd.s32 $0xF, s9;
	s4 =	spop (v2sf)  }
0x245: {  	vm13 =	vgt.s32 v6, s9;
	s25 =	ssub.s32 s23, s4;
	s4 =	spop (v2sf)  }
0x246: {  	p5 =	sge.s32 s29, s14;
	v6 =	vor.u32 s23, v0;
	v7 =	vnsel vm13, $0x0, v13;
	s23 =	spop (v2sf)  }
0x247: {  	p6 =	slt.s32 s16, $0x0;
	(xrf0) =	vadd.scan.msk.s32 $0xffff, v7;
	s25 =	sadd.s32 $0xF, s25;
	s1 =	ssub.s32 s26, s23  }
0x248: {  	p4 =	por !p6, !p5;
	vm14 =	vgt.s32 v6, s25;
	v6 =	vor.u32 s26, v0;
	s1 =	sadd.s32 $0xF, s1  }
0x249: {  	p1 =	por p1, p1;
	s5 =	sadd.s32 s28, s5;
	p4 =	por !p4, !p4;
	v7 =	vnsel vm14, $0x0, v49;
	vm15 =	vgt.s32 v6, s1  }
0x24a: {  	p0 =	por p0, p0;
	s17 =	smov.u32 @p1 s5;
	s16 =	smov.u32 @p4 s11;
	v6 =	vnsel vm15, $0x0, v58  }
0x24b: {  	p1 =	por p2, p2;
	p6 =	sge.s32 s0, s14;
	p5 =	slt.s32 s16, $0x0;
	(xrf0) =	vadd.scan.msk.s32 $0xffff, v7  }
0x24c: {  	p3 =	por p3, p3;
	p1 =	por p1, p1;
	p6 =	por !p5, !p6;
	v7, _, _ =	vpop (xrf0);
	(xrf0) =	vadd.scan.msk.s32 $0xffff, v6  }
0x24d: {  	p3 =	por p3, p3;
	p5 =	por p0, p0;
	p0 =	por !p6, !p6;
	(v2sf) =	vpush v7, $0xF;
	v6, _, _ =	vpop (xrf0)  }
0x24e: {  	p1 =	por p1, p1;
	s5 =	sadd.s32 s19, s6;
	s16 =	smov.u32 @p0 s12;
	(v2sf) =	vpush v6, $0xF  }
0x24f: {  	s17 =	smov.u32 @p5 s5;
	p6 =	sge.s32 s30, s14;
	p5 =	slt.s32 s16, $0x0  }
0x250: {  	p3 =	por p3, p3;
	s3 =	sadd.s32 s20, s3;
	p2 =	por !p5, !p6  }
0x251: {  	p4 =	por p4, p4;
	s17 =	smov.u32 @p1 s3;
	p1 =	por !p2, !p2;
	v6, _, _ =	vpop (xrf0)  }
0x252: {  	p4 =	por p4, p4;
	p0 =	por p0, p0;
	s16 =	smov.u32 @p1 s15;
	(v2sf) =	vpush v6, $0xF;
	v6, _, _ =	vpop (xrf0)  }
0x253: {  	p6 =	sge.s32 s31, s14;
	s3 =	sadd.s32 s21, s7;
	p5 =	slt.s32 s16, $0x0;
	(v2sf) =	vpush v6, $0xF  }
0x254: {  	p0 =	por p0, p0;
	s17 =	smov.u32 @p3 s3;
	p3 =	por !p5, !p6  }
0x255: {  	p0 =	por p0, p0;
	p1 =	por p1, p1;
	p3 =	por !p3, !p3  }
0x256: {  	p2 =	por p4, p4;
	p1 =	por p1, p1;
	s16 =	smov.u32 @p3 s9  }
0x257: {  	p6 =	sge.s32 s2, s14;
	s3 =	sadd.s32 s22, s24;
	p5 =	slt.s32 s16, $0x0  }
0x258: {  	p1 =	por p1, p1;
	s17 =	smov.u32 @p2 s3;
	p2 =	por !p5, !p6  }
0x259: {  	p3 =	por p3, p3;
	p2 =	por !p2, !p2;
	s4 =	sadd.s32 s29, s4  }
0x25a: {  	p3 =	por p3, p3;
	s16 =	smov.u32 @p2 s25;
	s17 =	smov.u32 @p0 s4  }
0x25b: {  	p2 =	por p2, p2;
	p5 =	slt.s32 s16, $0x0;
	s26 =	sadd.s32 s2, s8  }
0x25c: {  	p2 =	por p2, p2;
	p6 =	sge.s32 s26, s14;
	s28 =	spop (v2sf)  }
0x25d: {  	p0 =	por !p5, !p6;
	s0 =	sadd.s32 s0, s28;
	s29 =	spop (v2sf)  }
0x25e: {  	s17 =	smov.u32 @p1 s0;
	p1 =	por p3, p3;
	s0 =	sadd.s32 s30, s29  }
0x25f: {  	s17 =	smov.u32 @p1 s0;
	p1 =	por p2, p2;
	p2 =	slt.s32 s18, $0x1  }
.Ltmp19:
0x260: {  	p0 =	por !p0, !p0;
	(pc) =	sbr.rel @p2 .LBB2_28-.Ltmp19, $4  }
0x261: {  	p5 =	por p0, p0;
	s30 =	spop (v2sf)  }
0x262: {  	p6 =	por p5, p5;
	s0 =	sadd.s32 s31, s30;
	s31 =	spop (v2sf)  }
0x263: {  	s17 =	smov.u32 @p1 s0;
	p1 =	por p6, p6;
	s0 =	sadd.s32 s2, s31  }
0x264: {  	s16 =	smov.u32 @p0 s1;
	s17 =	smov.u32 @p1 s0  }
0x265: {  	p1 =	sne.s32 s18, $0x1  }
.Ltmp20:
0x266: {  	_ = 	snop;
	(pc) =	sbr.rel @!p1 .LBB2_33-.Ltmp20, $3  }
0x267: {  	_ =	sdelay $0x1  }
0x268: {  	s1 =	simm.s32 $0x1880  }
0x269: {  	v6 =	vmov s16;
	s0 =	simm.s32 $0x0;
	p0 =	por $0x0, $0x0;
	v7 =	vld [tilespmem:s1+$0x0];
	s1 =	sadd.s32 $0xFFFFFFFF, s18  }
0x26a: {  	_ =	sdelay $0x3  }
0x26b: {  	v8 =	vshrl.u32 v7, $0x8  }
0x26c: {  	v8 =	vand.u32 $0xFF, v8  }
0x26d: {  	vm0 =	veq.s32 v8, v6  }
0x26e: {  	v8 =	vmpcnt.ones.xlane vm0;
	_ =	sdelay $0x1  }
0x26f: {  	(v2sf) =	vpush v8, $0x0  }
0x270: {  	p1 =	sne.s32 s1, $0x1  }
.Ltmp21:
0x271: {  	_ = 	snop;
	(pc) =	sbr.rel @!p1 .LBB2_35-.Ltmp21, $3  }
0x272: {  	_ =	sdelay $0x1  }
0x273: {  	s2 =	simm.s32 $0x1890;
	[tilespmem:s0+$0x1000] =	vst.msk vm0, v7  }
0x274: {  	s3 =	sadd.s32 $0xFFFFFFFF, s1;
	p0 =	por $0x1, $0x1;
	s1 =	simm.s32 $0x0;
	v7 =	vld [tilespmem:s2+$0x0]  }
.LBB2_36:
0x275: {  	p1 =	sne.s32 s3, $0x1;
	_ =	sdelay $0x3  }
0x276: {  	v8 =	vshrl.u32 v7, $0x8  }
0x277: {  	v8 =	vand.u32 $0xFF, v8  }
0x278: {  	vm0 =	veq.s32 v8, v6  }
0x279: {  	v8 =	vmpcnt.ones.xlane vm0  }
0x27a: {  	s4 =	spop (v2sf)  }
0x27b: {  	(v2sf) =	vpush v8, $0x0;
	s1 =	sadd.s32 s1, s4  }
0x27c: {  	[tilespmem:s1+$0x1000] =	vst.msk vm0, v7  }
.Ltmp22:
0x27d: {  	(pc) =	sbr.rel @p1 .LBB2_36-.Ltmp22, $3  }
0x27e: {  	_ =	sdelay $0x1  }
0x27f: {  	s2 =	sadd.s32 $0x10, s2  }
0x280: {  	s3 =	sadd.s32 $0xFFFFFFFF, s3;
	v7 =	vld [tilespmem:s2+$0x0]  }
0x281: {  	s3 =	rddreg [dreg:$0x9]  }
.LBB2_38:
0x282: {  	_ =	sdelay $0x2  }
0x283: {  	v8 =	vshrl.u32 v7, $0x8  }
0x284: {  	v8 =	vand.u32 $0xFF, v8  }
0x285: {  	vm0 =	veq.s32 v8, v6  }
0x286: {  	v6 =	vmpcnt.ones.xlane vm0;
	_ =	sdelay $0x1  }
0x287: {  	(v2sf) =	vpush v6, $0x0;
	_ =	sdelay $0xb  }
.Ltmp23:
0x288: {  	_ = 	snop;
	(pc) =	sbr.rel .LBB2_39-.Ltmp23, $4  }
0x289: {  	s2 =	spop @p0 (v2sf)  }
0x28a: {  	s1 =	sadd.s32 @p0 s1, s2  }
0x28b: {  	s0 =	smov.u32 @p0 s1;
	s31 =	spop (v2sf)  }
0x28c: {  	[tilespmem:s0+$0x1000] =	vst.msk vm0, v7;
	s0 =	sadd.s32 s0, s31  }
.LBB2_28:
0x28d: {  	s0 =	simm.s32 $0x0;
	s3 =	rddreg [dreg:$0x9]  }
.LBB2_39:
0x28e: {  	[tilespmem:s0+$0x1000] =	vst v5  }
0x28f: {  	[tilespmem:$0x2100] =	vst v1  }
0x290: {  	[tilespmem:$0x2110] =	vst v1  }
0x291: {  	[tilespmem:$0x2120] =	vst v1  }
0x292: {  	[tilespmem:$0x2130] =	vst v1  }
0x293: {  	[tilespmem:$0x2140] =	vst v1  }
0x294: {  	[tilespmem:$0x2150] =	vst v1  }
0x295: {  	[tilespmem:$0x2160] =	vst v1  }
0x296: {  	[tilespmem:$0x2170] =	vst v1  }
0x297: {  	s31 =	sadd.s32 $0xF, s0;
	[tilespmem:$0x2180] =	vst v1  }
0x298: {  	[tilespmem:$0x2190] =	vst v1;
	s1 =	sshra.s32 s31, $0x4  }
0x299: {  	[tilespmem:$0x21A0] =	vst v1;
	p0 =	sgt.s32 s1, $0x0  }
.Ltmp24:
0x29a: {  	[tilespmem:$0x21B0] =	vst v1;
	(pc) =	sbr.rel @!p0 .LBB2_40-.Ltmp24, $4  }
0x29b: {  	[tilespmem:$0x21C0] =	vst v1  }
0x29c: {  	[tilespmem:$0x21D0] =	vst v1  }
0x29d: {  	[tilespmem:$0x21E0] =	vst v1  }
0x29e: {  	s0 =	simm.s32 $0x1000;
	[tilespmem:$0x21F0] =	vst v1  }
0x29f: {  	p0 =	seq.s32 s1, $0x1  }
.Ltmp25:
0x2a0: {  	_ = 	snop;
	(pc) =	sbr.rel @p0 .LBB2_47-.Ltmp25, $2  }
0x2a1: {  	_ =	sdelay $0x2  }
0x2a2: {  	v6 =	vld [tilespmem:s0+$0x0];
	s1 =	sadd.s32 $0xFFFFFFFF, s1  }
.LBB2_46:
0x2a3: {  	p0 =	seq.s32 s1, $0x1;
	_ =	sdelay $0x3  }
0x2a4: {  	v6 =	vand.u32 $0xFF, v6;
	_ =	sdelay $0x1  }
.Ltmp26:
0x2a5: {  	(pc) =	sbr.rel @!p0 .LBB2_46-.Ltmp26, $3  }
0x2a6: {  	_ =	sdelay $0x1  }
0x2a7: {  	s0 =	sadd.s32 $0x10, s0;
	[tilespmem:v6+s10+$0x0] =	vst.idx.add.s32.msk $0xffff, v3  }
0x2a8: {  	s1 =	sadd.s32 $0xFFFFFFFF, s1;
	v6 =	vld [tilespmem:s0+$0x0]  }
.LBB2_47:
0x2a9: {  	_ =	sdelay $0x3  }
0x2aa: {  	v6 =	vand.u32 $0xFF, v6;
	_ =	sdelay $0x4  }
0x2ab: {  	[tilespmem:v6+s10+$0x0] =	vst.idx.add.s32.msk $0xffff, v3  }
.LBB2_40:
0x2ac: {  	s24 =	simm.s32 $0x21F0  }
0x2ad: {  	s25 =	simm.s32 $0x21E0;
	v7 =	vld [tilespmem:s24+$0x0]  }
0x2ae: {  	v8 =	vld [tilespmem:s25+$0x0];
	_ =	sdelay $0x3  }
0x2af: {  	(xrf0) =	vadd.scan.msk.s32 $0xffff, v7  }
0x2b0: {  	(xrf0) =	vadd.scan.msk.s32 $0xffff, v8;
	_ =	sdelay $0x4  }
0x2b1: {  	v9, _, _ =	vpop (xrf0)  }
0x2b2: {  	s26 =	simm.s32 $0x21D0;
	(v2sf) =	vpush v9, $0xF;
	v9, _, _ =	vpop (xrf0)  }
0x2b3: {  	(v2sf) =	vpush v9, $0xF;
	v9 =	vld [tilespmem:s26+$0x0];
	_ =	sdelay $0x1  }
0x2b4: {  	v7 =	vperm.xlane v7, v4  }
0x2b5: {  	s28 =	simm.s32 $0x21C0  }
0x2b6: {  	v10 =	vld [tilespmem:s28+$0x0];
	(xrf0) =	vadd.scan.msk.s32 $0xffff, v7;
	v7 =	vperm.xlane v8, v4  }
0x2b7: {  	(xrf0) =	vadd.scan.msk.s32 $0xffff, v9  }
0x2b8: {  	(xrf0) =	vadd.scan.msk.s32 $0xffff, v7;
	v7 =	vperm.xlane v9, v4;
	_ =	sdelay $0x2  }
0x2b9: {  	(xrf0) =	vadd.scan.msk.s32 $0xffff, v10  }
0x2ba: {  	s0 =	sshll.u32 s16, $0x8;
	s16 =	ssub.s32 s14, s17;
	s2 =	simm.s32 $0x0;
	(xrf0) =	vadd.scan.msk.s32 $0xffff, v7;
	v7, _, _ =	vpop (xrf0)  }
0x2bb: {  	v6 =	vmov s16;
	v7 =	vadd.s32 s2, v7  }
0x2bc: {  	vm0 =	vge.s32 v7, v6  }
0x2bd: {  	v11 =	vmctz.xlane vm0;
	_ =	sdelay $0x1  }
0x2be: {  	v8, _, _ =	vpop (xrf0);
	s29 =	spop (v2sf);
	(v2sf) =	vpush v11, $0x0  }
0x2bf: {  	v9, _, _ =	vpop (xrf0);
	s5 =	sadd.s32 $0x0, s29  }
0x2c0: {  	v9 =	vadd.s32 s5, v9  }
0x2c1: {  	s31 =	spop (v2sf);
	(v2sf) =	vpush v8, $0xF;
	vm14 =	vge.s32 v9, v6  }
0x2c2: {  	v11 =	vmctz.xlane vm14;
	_ =	sdelay $0x1  }
0x2c3: {  	s30 =	simm.s32 $0x21B0;
	v9, _, _ =	vpop (xrf0);
	(v2sf) =	vpush v11, $0x0  }
0x2c4: {  	v7 =	vld [tilespmem:s30+$0x0];
	(v2sf) =	vpush v9, $0xF;
	_ =	sdelay $0x3  }
0x2c5: {  	s7 =	sadd.s32 s5, s31;
	v8 =	vperm.xlane v10, v4;
	v12, _, _ =	vpop (xrf0)  }
0x2c6: {  	s14 =	simm.s32 $0xFFFFFFFF;
	s1 =	simm.s32 $0xFF;
	s12 =	simm.s32 $0xDF;
	(xrf0) =	vadd.scan.msk.s32 $0xffff, v7;
	v10 =	vadd.s32 s7, v12  }
0x2c7: {  	s6 =	simm.s32 $0xCF;
	s4 =	simm.s32 $0x21A0;
	s8 =	simm.s32 $0xAF;
	(xrf0) =	vadd.scan.msk.s32 $0xffff, v8;
	vm15 =	vge.s32 v10, v6  }
0x2c8: {  	s0 =	sor.u32 s0, s3;
	s3 =	simm.s32 $0xEF;
	s2 =	simm.s32 $0xBF;
	v8 =	vmctz.xlane vm15  }
.LBB2_41:
0x2c9: {  	v9 =	vld [tilespmem:s4+$0x0];
	p0 =	sne.s32 s8, $0xF;
	s9 =	spop (v2sf);
	p1 =	sge.s32 s5, s16  }
0x2ca: {  	s5 =	smov.u32 s7;
	(v2sf) =	vpush v8, $0x0;
	s1 =	ssub.s32 s1, s9;
	s9 =	smov.u32 s14  }
0x2cb: {  	p2 =	slt.s32 s14, $0x0;
	s9 =	smov.u32 @p1 s1;
	s1 =	smov.u32 s3  }
.Ltmp27:
0x2cc: {  	v8, _, _ =	vpop (xrf0);
	s3 =	spop (v2sf);
	s14 =	smov.u32 @p2 s9;
	(pc) =	sbr.rel @p0 .LBB2_41-.Ltmp27, $4  }
0x2cd: {  	v10 =	vperm.xlane v7, v4;
	(v2sf) =	vpush v8, $0xF;
	v7, _, _ =	vpop (xrf0);
	s7 =	sadd.s32 s7, s3;
	s3 =	smov.u32 s12;
	s12 =	smov.u32 s6  }
0x2ce: {  	s6 =	smov.u32 s2;
	s2 =	smov.u32 s8;
	(xrf0) =	vadd.scan.msk.s32 $0xffff, v9;
	v8 =	vadd.s32 s7, v7;
	v7 =	vmov v9  }
0x2cf: {  	(xrf0) =	vadd.scan.msk.s32 $0xffff, v10;
	vm0 =	vge.s32 v8, v6  }
0x2d0: {  	s4 =	sadd.s32 $0xFFFFFFF0, s4;
	s8 =	sadd.s32 $0xFFFFFFF0, s8;
	v8 =	vmctz.xlane vm0  }
0x2d1: {  	_ =	sdelay $0x3  }
0x2d2: {  	v7 =	vperm.xlane v7, v4;
	_ =	sdelay $0x1  }
0x2d3: {  	(xrf0) =	vadd.scan.msk.s32 $0xffff, v7  }
0x2d4: {  	s4 =	spop (v2sf)  }
0x2d5: {  	s8 =	spop (v2sf);
	v7, _, _ =	vpop (xrf0)  }
0x2d6: {  	s8 =	sadd.s32 s7, s8;
	v9, _, _ =	vpop (xrf0)  }
0x2d7: {  	v9 =	vadd.s32 s8, v9;
	s9 =	spop (v2sf)  }
0x2d8: {  	(v2sf) =	vpush v8, $0x0;
	vm0 =	vge.s32 v9, v6;
	s11 =	spop (v2sf)  }
0x2d9: {  	v62 =	vmctz.xlane vm0;
	v63, _, _ =	vpop (xrf0);
	s11 =	sadd.s32 s8, s11  }
0x2da: {  	(v2sf) =	vpush v7, $0xF;
	v7 =	vadd.s32 s11, v63  }
0x2db: {  	(v2sf) =	vpush v62, $0x0;
	vm15 =	vge.s32 v7, v6  }
0x2dc: {  	v6 =	vmctz.xlane vm15;
	_ =	sdelay $0x1  }
0x2dd: {  	(v2sf) =	vpush v6, $0x0;
	_ =	sdelay $0x3  }
0x2de: {  	p0 =	sge.s32 s5, s16;
	s1 =	ssub.s32 s1, s4;
	s4 =	smov.u32 s14  }
0x2df: {  	s4 =	smov.u32 @p0 s1;
	p0 =	slt.s32 s14, $0x0  }
0x2e0: {  	s14 =	smov.u32 @p0 s4  }
0x2e1: {  	p0 =	sge.s32 s7, s16;
	s1 =	ssub.s32 s3, s9;
	s3 =	smov.u32 s14  }
0x2e2: {  	p1 =	slt.s32 s14, $0x0;
	s3 =	smov.u32 @p0 s1  }
0x2e3: {  	s14 =	smov.u32 @p1 s3;
	s26 =	spop (v2sf)  }
0x2e4: {  	p0 =	sge.s32 s8, s16;
	s3 =	smov.u32 s14;
	s1 =	ssub.s32 s12, s26  }
0x2e5: {  	p1 =	slt.s32 s14, $0x0;
	s3 =	smov.u32 @p0 s1;
	s28 =	spop (v2sf)  }
0x2e6: {  	s14 =	smov.u32 @p1 s3;
	s29 =	spop (v2sf)  }
0x2e7: {  	p0 =	sge.s32 s11, s16;
	s4 =	smov.u32 s14;
	s3 =	ssub.s32 s6, s29  }
0x2e8: {  	v6 =	vmov s13;
	s13 =	sadd.s32 $0x1, s13;
	p1 =	slt.s32 s14, $0x0;
	s4 =	smov.u32 @p0 s3  }
0x2e9: {  	s1 =	sadd.s32 s11, s28;
	s14 =	smov.u32 @p1 s4;
	s30 =	spop (v2sf)  }
0x2ea: {  	p0 =	sge.s32 s1, s16;
	s1 =	smov.u32 s14;
	s2 =	ssub.s32 s2, s30  }
0x2eb: {  	s1 =	smov.u32 @p0 s2;
	p0 =	sne.s32 s13, $0x100  }
.Ltmp28:
0x2ec: {  	p1 =	slt.s32 s14, $0x0;
	(pc) =	sbr.rel @p0 .LBB2_2-.Ltmp28, $4  }
.Ltmp29:
0x2ed: {  	s14 =	smov.u32 @p1 s1;
	(pc) =	sbr.rel @!p0 .LBB2_43-.Ltmp29, $4  }
0x2ee: {  	s0 =	sor.u32 s14, s0  }
0x2ef: {  	s31 =	simm.s32 $0x2200;
	v7 =	vmov s0  }
0x2f0: {  	[tilespmem:v6+s31+$0x0] =	vst.idx.msk $0x1, v7  }
0x2f1: {  	_ = 	snop  }
.LBB2_19:
.Ltmp30:
0x2f2: {  	(pc) =	sbr.rel .LBB2_23-.Ltmp30, $2  }
0x2f3: {  	_ =	sdelay $0x2  }
0x2f4: {  	s1 =	simm.s32 $0x0  }
.LBB2_33:
.Ltmp31:
0x2f5: {  	(pc) =	sbr.rel .LBB2_38-.Ltmp31, $2  }
0x2f6: {  	_ =	sdelay $0x2  }
0x2f7: {  	s1 =	simm.s32 $0x0;
	s3 =	rddreg [dreg:$0x9]  }
.LBB2_21:
.Ltmp32:
0x2f8: {  	(pc) =	sbr.rel .LBB2_23-.Ltmp32, $2  }
0x2f9: {  	_ =	sdelay $0x2  }
0x2fa: {  	s1 =	simm.s32 $0x0  }
.LBB2_35:
.Ltmp33:
0x2fb: {  	(pc) =	sbr.rel .LBB2_38-.Ltmp33, $2  }
0x2fc: {  	_ =	sdelay $0x2  }
0x2fd: {  	s1 =	simm.s32 $0x0;
	s3 =	rddreg [dreg:$0x9]  }
.LBB2_44:
0x2fe: {  	_ =	sfence.sel $0x180000  }
0x2ff: {  	[bflag:$0x0] =	sbarrier.arrive $0xFFFF  }
0x300: {  	_ =	strace $0x90000047  }
0x301: {  	s0 =	stileid.u32;
	[bflag:$0x2] =	sbarrier.arrive $0xFFFF  }
0x302: {  	p0 =	sne.s32 s0, $0x0;
	s0 =	rddreg [dreg:$0x2]  }
0x303: {  	s0 =	sadd.s32 @!p0 $0x100000, s0  }
0x304: {  	[sflag:s0] =	ssyncadd.tile.s32 @!p0 $0x1;
	_ =	shalt  }
.Lfunc_end2:
_tile_overlayer_lowered:
.L_overlay_start_2:
0x305: {  	(tag) =	ssettag $0x2  }
0x306: {  	s0 =	rddreg [dreg:$0x0];
	s2 =	stileid.u32  }
0x307: {  	s1 =	rddreg [dreg:$0x1];
	p0 =	sne.s32 s2, $0x0  }
0x308: {  	s3 =	rddreg [dreg:$0x2];
	[bflag:$0x3] =	sbarrier.arrive $0xFFFF;
	s2 =	simm.s32 @!p0 $0x1C01  }
0x309: {  	[timem:s3], [sflag:s2] =	dma.local @!p0 [hbm:s0], s1  }
0x30a: {  	s0 =	simm.s32 @!p0 $0x1  }
0x30b: {  	_ =	swait.ge @!p0 [sflag:s0], s1  }
0x30c: {  	s1 =	ssub.s32 @!p0 $0x0, s1;
	[sflag:s0] =	ssyncset.done @!p0 $0x0  }
0x30d: {  	[sflag:s0] =	ssyncadd.s32 @!p0 s1  }
0x30e: {  	[bflag:$0x3] =	sbarrier.arrive $0xFFFF  }
0x30f: {  	_ =	shalt  }

</sc_bundles>
